<compile_context>
chip_gen: v7x
topology: tpu7x:2x2x1
jax: 0.10.2.dev20260603
libtpu: 0.0.44.dev20260713+nightly
codegen_flags: <defaults>
</compile_context>

<pallas_src>
import functools

import jax
import jax.numpy as jnp
from jax import lax
from jax.experimental import pallas as pl
from jax.experimental.pallas import tpu as pltpu
from jax.experimental.pallas import tpu_sc as plsc

D = 128
NW = 32
CHB = 128
NBUF = 5


def _gather_sc(idx, table, n):
    per_w = n // NW
    n_grp = per_w // CHB
    m_iters = n_grp // NBUF

    mesh = plsc.VectorSubcoreMesh(core_axis_name="c", subcore_axis_name="s")

    @functools.partial(
        pl.kernel,
        mesh=mesh,
        out_type=jax.ShapeDtypeStruct((n, D), jnp.float32),
        scratch_types=(
            [pltpu.VMEM((per_w,), jnp.int32),
             pltpu.VMEM((NBUF, CHB, D), jnp.float32)]
            + [pltpu.SemaphoreType.DMA] * (2 * NBUF)
        ),
    )
    def k(idx_hbm, table_hbm, out_hbm, idx_v, rows_v, *sems):
        gsem = sems[:NBUF]
        ssem = sems[NBUF:]
        wid = lax.axis_index("s") * 2 + lax.axis_index("c")
        base = wid * per_w

        pltpu.sync_copy(idx_hbm.at[pl.ds(base, per_w)], idx_v)

        def fire_gather(slot, g):
            return pltpu.async_copy(
                table_hbm.at[idx_v.at[pl.ds(g * CHB, CHB)]],
                rows_v.at[slot], gsem[slot])

        def fire_store(slot, g):
            return pltpu.async_copy(
                rows_v.at[slot],
                out_hbm.at[pl.ds(base + g * CHB, CHB)],
                ssem[slot])

        def wait_store(slot):
            pltpu.make_async_copy(
                rows_v.at[slot], out_hbm.at[pl.ds(0, CHB)],
                ssem[slot]).wait()

        def body(m, carry):
            g0 = m * NBUF

            descs = []
            for slot in range(NBUF):
                @pl.when(m > 0)
                def _(slot=slot):
                    wait_store(slot)

                descs.append(fire_gather(slot, g0 + slot))
            for slot in range(NBUF):
                descs[slot].wait()
                fire_store(slot, g0 + slot)
            return carry

        lax.fori_loop(0, m_iters, body, 0)
        for slot in range(NBUF):
            wait_store(slot)

    return k(idx, table)


def kernel(x, infile):
    b, t = x.shape
    n = b * t
    idx = x.reshape(n).astype(jnp.int32)
    out = _gather_sc(idx, infile, n)
    return out.reshape(b, t, D)

# --- scband reference (transcript-rebuilt; emitter-appended) ---
"""Pipeline reference for scband-file-transform-38929583571145 (READ-ONLY COPY).

The authoritative reference and input builder live on the scoring server;
editing this copy changes nothing except your own understanding.
"""

import jax, jax.numpy as jnp
import numpy as np

VOCAB = 100000
BITS = 128

def setup_inputs(seed: int = 0) -> dict:
    key = jax.random.key(seed)
    k1, k2 = jax.random.split(key)
    # The module loads a float32 table [vocab, bits] from a pickle file;
    # we materialize it as a random parameter of the same shape.
    infile = jax.random.normal(k1, (VOCAB, BITS), dtype=jnp.float32)
    x = jax.random.randint(k2, (4096, 200), 0, VOCAB, dtype=jnp.int64)
    return {"x": x, "infile": infile}

def reference(x, infile):
    # forward: a = self.infile[x]  (embedding gather)
    a = jnp.take(infile, x, axis=0)
    return a

if __name__ == "__main__":
    import jax
    _d = setup_inputs()
    print(jax.jit(kernel)(*tuple(_d.values())))

</pallas_src>

<mosaic_0001>
#map = affine_map<(d0, d1) -> (0)>
#map1 = affine_map<(d0, d1) -> (0, 0)>
module attributes {stable_mosaic.version = 14 : i64} {
  func.func @k(%arg0: i32, %arg1: i32, %arg2: memref<819200xi32, #tpu.memory_space<hbm>>, %arg3: memref<100000x128xf32, #tpu.memory_space<hbm>>, %arg4: memref<819200x128xf32, #tpu.memory_space<hbm>>, %arg5: memref<25600xi32, #tpu.memory_space<vmem>>, %arg6: memref<5x128x128xf32, #tpu.memory_space<vmem>>, %arg7: memref<!tpu.dma_semaphore, #tpu.memory_space<semaphore_mem>>, %arg8: memref<!tpu.dma_semaphore, #tpu.memory_space<semaphore_mem>>, %arg9: memref<!tpu.dma_semaphore, #tpu.memory_space<semaphore_mem>>, %arg10: memref<!tpu.dma_semaphore, #tpu.memory_space<semaphore_mem>>, %arg11: memref<!tpu.dma_semaphore, #tpu.memory_space<semaphore_mem>>, %arg12: memref<!tpu.dma_semaphore, #tpu.memory_space<semaphore_mem>>, %arg13: memref<!tpu.dma_semaphore, #tpu.memory_space<semaphore_mem>>, %arg14: memref<!tpu.dma_semaphore, #tpu.memory_space<semaphore_mem>>, %arg15: memref<!tpu.dma_semaphore, #tpu.memory_space<semaphore_mem>>, %arg16: memref<!tpu.dma_semaphore, #tpu.memory_space<semaphore_mem>>) attributes {dimension_semantics = [#tpu.dimension_semantics<core_parallel>, #tpu.dimension_semantics<subcore_parallel>], iteration_bounds = array<i64: 2, 16>, scalar_prefetch = 0 : i64, scratch_operands = 12 : i64, tpu.core_type = #tpu.core_type<sc_vector_subcore>, window_params = [{transform_indices = #map}, {transform_indices = #map1}, {transform_indices = #map1}]} {
    %mul3A = arith.constant 2 : i32
    %mul3A_0 = arith.muli %arg1, %mul3A : i32
    %add3A = arith.addi %mul3A_0, %arg0 : i32
    %mul3A_1 = arith.constant 25600 : i32
    %mul3A_2 = arith.muli %add3A, %mul3A_1 : i32
    "tpu.region"() ({
      %run_scoped3A = tpu.sem_alloc : memref<!tpu.dma_semaphore, #tpu.memory_space<semaphore_mem>>
      %dma_start3A = tpu.memref_slice %arg2[%mul3A_2] : memref<819200xi32, #tpu.memory_space<hbm>> -> memref<25600xi32, #tpu.memory_space<hbm>>
      %dma_start3A_82 = tpu.memref_slice %arg2[%mul3A_2] : memref<819200xi32, #tpu.memory_space<hbm>> -> memref<25600xi32, #tpu.memory_space<hbm>>
      tpu.enqueue_dma source(%dma_start3A_82 : memref<25600xi32, #tpu.memory_space<hbm>>) target(%arg5 : memref<25600xi32, #tpu.memory_space<vmem>>) target_semaphore(%run_scoped3A : memref<!tpu.dma_semaphore, #tpu.memory_space<semaphore_mem>>)
      %dma_wait3A_83 = tpu.memref_slice %arg2[%mul3A_2] : memref<819200xi32, #tpu.memory_space<hbm>> -> memref<25600xi32, #tpu.memory_space<hbm>>
      %dma_wait3A_84 = tpu.memref_slice %arg2[%mul3A_2] : memref<819200xi32, #tpu.memory_space<hbm>> -> memref<25600xi32, #tpu.memory_space<hbm>>
      tpu.wait_dma2 semaphore(%run_scoped3A : memref<!tpu.dma_semaphore, #tpu.memory_space<semaphore_mem>>) src(%dma_wait3A_84 : memref<25600xi32, #tpu.memory_space<hbm>>) dst(%arg5 : memref<25600xi32, #tpu.memory_space<vmem>>)
      tpu.yield
    }) : () -> ()
    %scan3A = arith.constant 0 : i32
    %scan3A_3 = arith.constant 0 : i32
    %scan3A_4 = arith.constant 40 : i32
    %scan3A_5 = arith.addi %scan3A_3, %scan3A_4 : i32
    %scan3A_6 = arith.constant 1 : i32
    scf.for %scan3A_82 = %scan3A_3 to %scan3A_5 step %scan3A_6  : i32 {
      %mul3A_83 = arith.constant 5 : i32
      %mul3A_84 = arith.muli %scan3A_82, %mul3A_83 : i32
      %gt3A = arith.constant 0 : i32
      %gt3A_85 = arith.cmpi sgt, %scan3A_82, %gt3A : i32
      %convert_element_type3A = arith.extui %gt3A_85 : i1 to i32
      %cond3A = arith.constant 0 : i32
      %cond3A_86 = arith.cmpi ne, %convert_element_type3A, %cond3A : i32
      scf.if %cond3A_86 {
        %dma_wait3A_306 = arith.constant 0 : i32
        %dma_wait3A_307 = arith.constant 0 : i32
        %dma_wait3A_308 = arith.constant 0 : i32
        %dma_wait3A_309 = tpu.memref_slice %arg6[%dma_wait3A_306, %dma_wait3A_307, %dma_wait3A_308] : memref<5x128x128xf32, #tpu.memory_space<vmem>> -> memref<1x128x128xf32, #tpu.memory_space<vmem>>
        %dma_wait3A_310 = tpu.memref_squeeze %dma_wait3A_309 : memref<1x128x128xf32, #tpu.memory_space<vmem>> -> memref<128x128xf32, #tpu.memory_space<vmem>>
        %dma_wait3A_311 = arith.constant 0 : i32
        %dma_wait3A_312 = arith.constant 0 : i32
        %dma_wait3A_313 = tpu.memref_slice %arg4[%dma_wait3A_311, %dma_wait3A_312] : memref<819200x128xf32, #tpu.memory_space<hbm>> -> memref<128x128xf32, #tpu.memory_space<hbm>>
        %dma_wait3A_314 = arith.constant 0 : i32
        %dma_wait3A_315 = arith.constant 0 : i32
        %dma_wait3A_316 = tpu.memref_slice %arg4[%dma_wait3A_314, %dma_wait3A_315] : memref<819200x128xf32, #tpu.memory_space<hbm>> -> memref<128x128xf32, #tpu.memory_space<hbm>>
        %dma_wait3A_317 = arith.constant 0 : i32
        %dma_wait3A_318 = arith.constant 0 : i32
        %dma_wait3A_319 = tpu.memref_slice %arg6[%dma_wait3A_306, %dma_wait3A_317, %dma_wait3A_318] : memref<5x128x128xf32, #tpu.memory_space<vmem>> -> memref<1x128x128xf32, #tpu.memory_space<vmem>>
        %dma_wait3A_320 = tpu.memref_squeeze %dma_wait3A_319 : memref<1x128x128xf32, #tpu.memory_space<vmem>> -> memref<128x128xf32, #tpu.memory_space<vmem>>
        tpu.wait_dma2 semaphore(%arg12 : memref<!tpu.dma_semaphore, #tpu.memory_space<semaphore_mem>>) src(%dma_wait3A_320 : memref<128x128xf32, #tpu.memory_space<vmem>>) dst(%dma_wait3A_316 : memref<128x128xf32, #tpu.memory_space<hbm>>)
      } else {
      }
      %add3A_87 = arith.constant 0 : i32
      %add3A_88 = arith.addi %mul3A_84, %add3A_87 : i32
      %mul3A_89 = arith.constant 128 : i32
      %mul3A_90 = arith.muli %add3A_88, %mul3A_89 : i32
      %dma_start3A = arith.constant 0 : i32
      %dma_start3A_91 = arith.constant 0 : i32
      %dma_start3A_92 = arith.constant 0 : i32
      %dma_start3A_93 = tpu.memref_slice %arg6[%dma_start3A, %dma_start3A_91, %dma_start3A_92] : memref<5x128x128xf32, #tpu.memory_space<vmem>> -> memref<1x128x128xf32, #tpu.memory_space<vmem>>
      %dma_start3A_94 = tpu.memref_squeeze %dma_start3A_93 : memref<1x128x128xf32, #tpu.memory_space<vmem>> -> memref<128x128xf32, #tpu.memory_space<vmem>>
      %dma_start3A_95 = tpu.memref_slice %arg5[%mul3A_90] : memref<25600xi32, #tpu.memory_space<vmem>> -> memref<128xi32, #tpu.memory_space<vmem>>
      %dma_start3A_96 = arith.constant 0 : i32
      %dma_start3A_97 = arith.constant 0 : i32
      %dma_start3A_98 = tpu.memref_slice %arg3[%dma_start3A_96, %dma_start3A_97] : memref<100000x128xf32, #tpu.memory_space<hbm>> -> memref<100000x128xf32, #tpu.memory_space<hbm>>
      tpu.enqueue_indirect_dma source(%dma_start3A_98 : memref<100000x128xf32, #tpu.memory_space<hbm>>) target(%dma_start3A_94 : memref<128x128xf32, #tpu.memory_space<vmem>>) offsets(%dma_start3A_95 : memref<128xi32, #tpu.memory_space<vmem>>) semaphore(%arg7 : memref<!tpu.dma_semaphore, #tpu.memory_space<semaphore_mem>>)
      %gt3A_99 = arith.constant 0 : i32
      %gt3A_100 = arith.cmpi sgt, %scan3A_82, %gt3A_99 : i32
      %convert_element_type3A_101 = arith.extui %gt3A_100 : i1 to i32
      %cond3A_102 = arith.constant 0 : i32
      %cond3A_103 = arith.cmpi ne, %convert_element_type3A_101, %cond3A_102 : i32
      scf.if %cond3A_103 {
        %dma_wait3A_306 = arith.constant 1 : i32
        %dma_wait3A_307 = arith.constant 0 : i32
        %dma_wait3A_308 = arith.constant 0 : i32
        %dma_wait3A_309 = tpu.memref_slice %arg6[%dma_wait3A_306, %dma_wait3A_307, %dma_wait3A_308] : memref<5x128x128xf32, #tpu.memory_space<vmem>> -> memref<1x128x128xf32, #tpu.memory_space<vmem>>
        %dma_wait3A_310 = tpu.memref_squeeze %dma_wait3A_309 : memref<1x128x128xf32, #tpu.memory_space<vmem>> -> memref<128x128xf32, #tpu.memory_space<vmem>>
        %dma_wait3A_311 = arith.constant 0 : i32
        %dma_wait3A_312 = arith.constant 0 : i32
        %dma_wait3A_313 = tpu.memref_slice %arg4[%dma_wait3A_311, %dma_wait3A_312] : memref<819200x128xf32, #tpu.memory_space<hbm>> -> memref<128x128xf32, #tpu.memory_space<hbm>>
        %dma_wait3A_314 = arith.constant 0 : i32
        %dma_wait3A_315 = arith.constant 0 : i32
        %dma_wait3A_316 = tpu.memref_slice %arg4[%dma_wait3A_314, %dma_wait3A_315] : memref<819200x128xf32, #tpu.memory_space<hbm>> -> memref<128x128xf32, #tpu.memory_space<hbm>>
        %dma_wait3A_317 = arith.constant 0 : i32
        %dma_wait3A_318 = arith.constant 0 : i32
        %dma_wait3A_319 = tpu.memref_slice %arg6[%dma_wait3A_306, %dma_wait3A_317, %dma_wait3A_318] : memref<5x128x128xf32, #tpu.memory_space<vmem>> -> memref<1x128x128xf32, #tpu.memory_space<vmem>>
        %dma_wait3A_320 = tpu.memref_squeeze %dma_wait3A_319 : memref<1x128x128xf32, #tpu.memory_space<vmem>> -> memref<128x128xf32, #tpu.memory_space<vmem>>
        tpu.wait_dma2 semaphore(%arg13 : memref<!tpu.dma_semaphore, #tpu.memory_space<semaphore_mem>>) src(%dma_wait3A_320 : memref<128x128xf32, #tpu.memory_space<vmem>>) dst(%dma_wait3A_316 : memref<128x128xf32, #tpu.memory_space<hbm>>)
      } else {
      }
      %add3A_104 = arith.constant 1 : i32
      %add3A_105 = arith.addi %mul3A_84, %add3A_104 : i32
      %mul3A_106 = arith.constant 128 : i32
      %mul3A_107 = arith.muli %add3A_105, %mul3A_106 : i32
      %dma_start3A_108 = arith.constant 1 : i32
      %dma_start3A_109 = arith.constant 0 : i32
      %dma_start3A_110 = arith.constant 0 : i32
      %dma_start3A_111 = tpu.memref_slice %arg6[%dma_start3A_108, %dma_start3A_109, %dma_start3A_110] : memref<5x128x128xf32, #tpu.memory_space<vmem>> -> memref<1x128x128xf32, #tpu.memory_space<vmem>>
      %dma_start3A_112 = tpu.memref_squeeze %dma_start3A_111 : memref<1x128x128xf32, #tpu.memory_space<vmem>> -> memref<128x128xf32, #tpu.memory_space<vmem>>
      %dma_start3A_113 = tpu.memref_slice %arg5[%mul3A_107] : memref<25600xi32, #tpu.memory_space<vmem>> -> memref<128xi32, #tpu.memory_space<vmem>>
      %dma_start3A_114 = arith.constant 0 : i32
      %dma_start3A_115 = arith.constant 0 : i32
      %dma_start3A_116 = tpu.memref_slice %arg3[%dma_start3A_114, %dma_start3A_115] : memref<100000x128xf32, #tpu.memory_space<hbm>> -> memref<100000x128xf32, #tpu.memory_space<hbm>>
      tpu.enqueue_indirect_dma source(%dma_start3A_116 : memref<100000x128xf32, #tpu.memory_space<hbm>>) target(%dma_start3A_112 : memref<128x128xf32, #tpu.memory_space<vmem>>) offsets(%dma_start3A_113 : memref<128xi32, #tpu.memory_space<vmem>>) semaphore(%arg8 : memref<!tpu.dma_semaphore, #tpu.memory_space<semaphore_mem>>)
      %gt3A_117 = arith.constant 0 : i32
      %gt3A_118 = arith.cmpi sgt, %scan3A_82, %gt3A_117 : i32
      %convert_element_type3A_119 = arith.extui %gt3A_118 : i1 to i32
      %cond3A_120 = arith.constant 0 : i32
      %cond3A_121 = arith.cmpi ne, %convert_element_type3A_119, %cond3A_120 : i32
      scf.if %cond3A_121 {
        %dma_wait3A_306 = arith.constant 2 : i32
        %dma_wait3A_307 = arith.constant 0 : i32
        %dma_wait3A_308 = arith.constant 0 : i32
        %dma_wait3A_309 = tpu.memref_slice %arg6[%dma_wait3A_306, %dma_wait3A_307, %dma_wait3A_308] : memref<5x128x128xf32, #tpu.memory_space<vmem>> -> memref<1x128x128xf32, #tpu.memory_space<vmem>>
        %dma_wait3A_310 = tpu.memref_squeeze %dma_wait3A_309 : memref<1x128x128xf32, #tpu.memory_space<vmem>> -> memref<128x128xf32, #tpu.memory_space<vmem>>
        %dma_wait3A_311 = arith.constant 0 : i32
        %dma_wait3A_312 = arith.constant 0 : i32
        %dma_wait3A_313 = tpu.memref_slice %arg4[%dma_wait3A_311, %dma_wait3A_312] : memref<819200x128xf32, #tpu.memory_space<hbm>> -> memref<128x128xf32, #tpu.memory_space<hbm>>
        %dma_wait3A_314 = arith.constant 0 : i32
        %dma_wait3A_315 = arith.constant 0 : i32
        %dma_wait3A_316 = tpu.memref_slice %arg4[%dma_wait3A_314, %dma_wait3A_315] : memref<819200x128xf32, #tpu.memory_space<hbm>> -> memref<128x128xf32, #tpu.memory_space<hbm>>
        %dma_wait3A_317 = arith.constant 0 : i32
        %dma_wait3A_318 = arith.constant 0 : i32
        %dma_wait3A_319 = tpu.memref_slice %arg6[%dma_wait3A_306, %dma_wait3A_317, %dma_wait3A_318] : memref<5x128x128xf32, #tpu.memory_space<vmem>> -> memref<1x128x128xf32, #tpu.memory_space<vmem>>
        %dma_wait3A_320 = tpu.memref_squeeze %dma_wait3A_319 : memref<1x128x128xf32, #tpu.memory_space<vmem>> -> memref<128x128xf32, #tpu.memory_space<vmem>>
        tpu.wait_dma2 semaphore(%arg14 : memref<!tpu.dma_semaphore, #tpu.memory_space<semaphore_mem>>) src(%dma_wait3A_320 : memref<128x128xf32, #tpu.memory_space<vmem>>) dst(%dma_wait3A_316 : memref<128x128xf32, #tpu.memory_space<hbm>>)
      } else {
      }
      %add3A_122 = arith.constant 2 : i32
      %add3A_123 = arith.addi %mul3A_84, %add3A_122 : i32
      %mul3A_124 = arith.constant 128 : i32
      %mul3A_125 = arith.muli %add3A_123, %mul3A_124 : i32
      %dma_start3A_126 = arith.constant 2 : i32
      %dma_start3A_127 = arith.constant 0 : i32
      %dma_start3A_128 = arith.constant 0 : i32
      %dma_start3A_129 = tpu.memref_slice %arg6[%dma_start3A_126, %dma_start3A_127, %dma_start3A_128] : memref<5x128x128xf32, #tpu.memory_space<vmem>> -> memref<1x128x128xf32, #tpu.memory_space<vmem>>
      %dma_start3A_130 = tpu.memref_squeeze %dma_start3A_129 : memref<1x128x128xf32, #tpu.memory_space<vmem>> -> memref<128x128xf32, #tpu.memory_space<vmem>>
      %dma_start3A_131 = tpu.memref_slice %arg5[%mul3A_125] : memref<25600xi32, #tpu.memory_space<vmem>> -> memref<128xi32, #tpu.memory_space<vmem>>
      %dma_start3A_132 = arith.constant 0 : i32
      %dma_start3A_133 = arith.constant 0 : i32
      %dma_start3A_134 = tpu.memref_slice %arg3[%dma_start3A_132, %dma_start3A_133] : memref<100000x128xf32, #tpu.memory_space<hbm>> -> memref<100000x128xf32, #tpu.memory_space<hbm>>
      tpu.enqueue_indirect_dma source(%dma_start3A_134 : memref<100000x128xf32, #tpu.memory_space<hbm>>) target(%dma_start3A_130 : memref<128x128xf32, #tpu.memory_space<vmem>>) offsets(%dma_start3A_131 : memref<128xi32, #tpu.memory_space<vmem>>) semaphore(%arg9 : memref<!tpu.dma_semaphore, #tpu.memory_space<semaphore_mem>>)
      %gt3A_135 = arith.constant 0 : i32
      %gt3A_136 = arith.cmpi sgt, %scan3A_82, %gt3A_135 : i32
      %convert_element_type3A_137 = arith.extui %gt3A_136 : i1 to i32
      %cond3A_138 = arith.constant 0 : i32
      %cond3A_139 = arith.cmpi ne, %convert_element_type3A_137, %cond3A_138 : i32
      scf.if %cond3A_139 {
        %dma_wait3A_306 = arith.constant 3 : i32
        %dma_wait3A_307 = arith.constant 0 : i32
        %dma_wait3A_308 = arith.constant 0 : i32
        %dma_wait3A_309 = tpu.memref_slice %arg6[%dma_wait3A_306, %dma_wait3A_307, %dma_wait3A_308] : memref<5x128x128xf32, #tpu.memory_space<vmem>> -> memref<1x128x128xf32, #tpu.memory_space<vmem>>
        %dma_wait3A_310 = tpu.memref_squeeze %dma_wait3A_309 : memref<1x128x128xf32, #tpu.memory_space<vmem>> -> memref<128x128xf32, #tpu.memory_space<vmem>>
        %dma_wait3A_311 = arith.constant 0 : i32
        %dma_wait3A_312 = arith.constant 0 : i32
        %dma_wait3A_313 = tpu.memref_slice %arg4[%dma_wait3A_311, %dma_wait3A_312] : memref<819200x128xf32, #tpu.memory_space<hbm>> -> memref<128x128xf32, #tpu.memory_space<hbm>>
        %dma_wait3A_314 = arith.constant 0 : i32
        %dma_wait3A_315 = arith.constant 0 : i32
        %dma_wait3A_316 = tpu.memref_slice %arg4[%dma_wait3A_314, %dma_wait3A_315] : memref<819200x128xf32, #tpu.memory_space<hbm>> -> memref<128x128xf32, #tpu.memory_space<hbm>>
        %dma_wait3A_317 = arith.constant 0 : i32
        %dma_wait3A_318 = arith.constant 0 : i32
        %dma_wait3A_319 = tpu.memref_slice %arg6[%dma_wait3A_306, %dma_wait3A_317, %dma_wait3A_318] : memref<5x128x128xf32, #tpu.memory_space<vmem>> -> memref<1x128x128xf32, #tpu.memory_space<vmem>>
        %dma_wait3A_320 = tpu.memref_squeeze %dma_wait3A_319 : memref<1x128x128xf32, #tpu.memory_space<vmem>> -> memref<128x128xf32, #tpu.memory_space<vmem>>
        tpu.wait_dma2 semaphore(%arg15 : memref<!tpu.dma_semaphore, #tpu.memory_space<semaphore_mem>>) src(%dma_wait3A_320 : memref<128x128xf32, #tpu.memory_space<vmem>>) dst(%dma_wait3A_316 : memref<128x128xf32, #tpu.memory_space<hbm>>)
      } else {
      }
      %add3A_140 = arith.constant 3 : i32
      %add3A_141 = arith.addi %mul3A_84, %add3A_140 : i32
      %mul3A_142 = arith.constant 128 : i32
      %mul3A_143 = arith.muli %add3A_141, %mul3A_142 : i32
      %dma_start3A_144 = arith.constant 3 : i32
      %dma_start3A_145 = arith.constant 0 : i32
      %dma_start3A_146 = arith.constant 0 : i32
      %dma_start3A_147 = tpu.memref_slice %arg6[%dma_start3A_144, %dma_start3A_145, %dma_start3A_146] : memref<5x128x128xf32, #tpu.memory_space<vmem>> -> memref<1x128x128xf32, #tpu.memory_space<vmem>>
      %dma_start3A_148 = tpu.memref_squeeze %dma_start3A_147 : memref<1x128x128xf32, #tpu.memory_space<vmem>> -> memref<128x128xf32, #tpu.memory_space<vmem>>
      %dma_start3A_149 = tpu.memref_slice %arg5[%mul3A_143] : memref<25600xi32, #tpu.memory_space<vmem>> -> memref<128xi32, #tpu.memory_space<vmem>>
      %dma_start3A_150 = arith.constant 0 : i32
      %dma_start3A_151 = arith.constant 0 : i32
      %dma_start3A_152 = tpu.memref_slice %arg3[%dma_start3A_150, %dma_start3A_151] : memref<100000x128xf32, #tpu.memory_space<hbm>> -> memref<100000x128xf32, #tpu.memory_space<hbm>>
      tpu.enqueue_indirect_dma source(%dma_start3A_152 : memref<100000x128xf32, #tpu.memory_space<hbm>>) target(%dma_start3A_148 : memref<128x128xf32, #tpu.memory_space<vmem>>) offsets(%dma_start3A_149 : memref<128xi32, #tpu.memory_space<vmem>>) semaphore(%arg10 : memref<!tpu.dma_semaphore, #tpu.memory_space<semaphore_mem>>)
      %gt3A_153 = arith.constant 0 : i32
      %gt3A_154 = arith.cmpi sgt, %scan3A_82, %gt3A_153 : i32
      %convert_element_type3A_155 = arith.extui %gt3A_154 : i1 to i32
      %cond3A_156 = arith.constant 0 : i32
      %cond3A_157 = arith.cmpi ne, %convert_element_type3A_155, %cond3A_156 : i32
      scf.if %cond3A_157 {
        %dma_wait3A_306 = arith.constant 4 : i32
        %dma_wait3A_307 = arith.constant 0 : i32
        %dma_wait3A_308 = arith.constant 0 : i32
        %dma_wait3A_309 = tpu.memref_slice %arg6[%dma_wait3A_306, %dma_wait3A_307, %dma_wait3A_308] : memref<5x128x128xf32, #tpu.memory_space<vmem>> -> memref<1x128x128xf32, #tpu.memory_space<vmem>>
        %dma_wait3A_310 = tpu.memref_squeeze %dma_wait3A_309 : memref<1x128x128xf32, #tpu.memory_space<vmem>> -> memref<128x128xf32, #tpu.memory_space<vmem>>
        %dma_wait3A_311 = arith.constant 0 : i32
        %dma_wait3A_312 = arith.constant 0 : i32
        %dma_wait3A_313 = tpu.memref_slice %arg4[%dma_wait3A_311, %dma_wait3A_312] : memref<819200x128xf32, #tpu.memory_space<hbm>> -> memref<128x128xf32, #tpu.memory_space<hbm>>
        %dma_wait3A_314 = arith.constant 0 : i32
        %dma_wait3A_315 = arith.constant 0 : i32
        %dma_wait3A_316 = tpu.memref_slice %arg4[%dma_wait3A_314, %dma_wait3A_315] : memref<819200x128xf32, #tpu.memory_space<hbm>> -> memref<128x128xf32, #tpu.memory_space<hbm>>
        %dma_wait3A_317 = arith.constant 0 : i32
        %dma_wait3A_318 = arith.constant 0 : i32
        %dma_wait3A_319 = tpu.memref_slice %arg6[%dma_wait3A_306, %dma_wait3A_317, %dma_wait3A_318] : memref<5x128x128xf32, #tpu.memory_space<vmem>> -> memref<1x128x128xf32, #tpu.memory_space<vmem>>
        %dma_wait3A_320 = tpu.memref_squeeze %dma_wait3A_319 : memref<1x128x128xf32, #tpu.memory_space<vmem>> -> memref<128x128xf32, #tpu.memory_space<vmem>>
        tpu.wait_dma2 semaphore(%arg16 : memref<!tpu.dma_semaphore, #tpu.memory_space<semaphore_mem>>) src(%dma_wait3A_320 : memref<128x128xf32, #tpu.memory_space<vmem>>) dst(%dma_wait3A_316 : memref<128x128xf32, #tpu.memory_space<hbm>>)
      } else {
      }
      %add3A_158 = arith.constant 4 : i32
      %add3A_159 = arith.addi %mul3A_84, %add3A_158 : i32
      %mul3A_160 = arith.constant 128 : i32
      %mul3A_161 = arith.muli %add3A_159, %mul3A_160 : i32
      %dma_start3A_162 = arith.constant 4 : i32
      %dma_start3A_163 = arith.constant 0 : i32
      %dma_start3A_164 = arith.constant 0 : i32
      %dma_start3A_165 = tpu.memref_slice %arg6[%dma_start3A_162, %dma_start3A_163, %dma_start3A_164] : memref<5x128x128xf32, #tpu.memory_space<vmem>> -> memref<1x128x128xf32, #tpu.memory_space<vmem>>
      %dma_start3A_166 = tpu.memref_squeeze %dma_start3A_165 : memref<1x128x128xf32, #tpu.memory_space<vmem>> -> memref<128x128xf32, #tpu.memory_space<vmem>>
      %dma_start3A_167 = tpu.memref_slice %arg5[%mul3A_161] : memref<25600xi32, #tpu.memory_space<vmem>> -> memref<128xi32, #tpu.memory_space<vmem>>
      %dma_start3A_168 = arith.constant 0 : i32
      %dma_start3A_169 = arith.constant 0 : i32
      %dma_start3A_170 = tpu.memref_slice %arg3[%dma_start3A_168, %dma_start3A_169] : memref<100000x128xf32, #tpu.memory_space<hbm>> -> memref<100000x128xf32, #tpu.memory_space<hbm>>
      tpu.enqueue_indirect_dma source(%dma_start3A_170 : memref<100000x128xf32, #tpu.memory_space<hbm>>) target(%dma_start3A_166 : memref<128x128xf32, #tpu.memory_space<vmem>>) offsets(%dma_start3A_167 : memref<128xi32, #tpu.memory_space<vmem>>) semaphore(%arg11 : memref<!tpu.dma_semaphore, #tpu.memory_space<semaphore_mem>>)
      %dma_wait3A_171 = arith.constant 0 : i32
      %dma_wait3A_172 = arith.constant 0 : i32
      %dma_wait3A_173 = arith.constant 0 : i32
      %dma_wait3A_174 = tpu.memref_slice %arg6[%dma_wait3A_171, %dma_wait3A_172, %dma_wait3A_173] : memref<5x128x128xf32, #tpu.memory_space<vmem>> -> memref<1x128x128xf32, #tpu.memory_space<vmem>>
      %dma_wait3A_175 = tpu.memref_squeeze %dma_wait3A_174 : memref<1x128x128xf32, #tpu.memory_space<vmem>> -> memref<128x128xf32, #tpu.memory_space<vmem>>
      %dma_wait3A_176 = tpu.memref_slice %arg5[%mul3A_90] : memref<25600xi32, #tpu.memory_space<vmem>> -> memref<128xi32, #tpu.memory_space<vmem>>
      %dma_wait3A_177 = arith.constant 0 : i32
      %dma_wait3A_178 = arith.constant 0 : i32
      %dma_wait3A_179 = tpu.memref_slice %arg3[%dma_wait3A_177, %dma_wait3A_178] : memref<100000x128xf32, #tpu.memory_space<hbm>> -> memref<100000x128xf32, #tpu.memory_space<hbm>>
      tpu.wait_indirect_dma semaphore(%arg7 : memref<!tpu.dma_semaphore, #tpu.memory_space<semaphore_mem>>) src(%dma_wait3A_179 : memref<100000x128xf32, #tpu.memory_space<hbm>>) dst(%dma_wait3A_175 : memref<128x128xf32, #tpu.memory_space<vmem>>)
      %add3A_180 = arith.constant 0 : i32
      %add3A_181 = arith.addi %mul3A_84, %add3A_180 : i32
      %mul3A_182 = arith.constant 128 : i32
      %mul3A_183 = arith.muli %add3A_181, %mul3A_182 : i32
      %add3A_184 = arith.addi %mul3A_2, %mul3A_183 : i32
      %dma_start3A_185 = arith.constant 0 : i32
      %dma_start3A_186 = arith.constant 0 : i32
      %dma_start3A_187 = arith.constant 0 : i32
      %dma_start3A_188 = tpu.memref_slice %arg6[%dma_start3A_185, %dma_start3A_186, %dma_start3A_187] : memref<5x128x128xf32, #tpu.memory_space<vmem>> -> memref<1x128x128xf32, #tpu.memory_space<vmem>>
      %dma_start3A_189 = tpu.memref_squeeze %dma_start3A_188 : memref<1x128x128xf32, #tpu.memory_space<vmem>> -> memref<128x128xf32, #tpu.memory_space<vmem>>
      %dma_start3A_190 = arith.constant 0 : i32
      %dma_start3A_191 = tpu.memref_slice %arg4[%add3A_184, %dma_start3A_190] : memref<819200x128xf32, #tpu.memory_space<hbm>> -> memref<128x128xf32, #tpu.memory_space<hbm>>
      %dma_start3A_192 = arith.constant 0 : i32
      %dma_start3A_193 = tpu.memref_slice %arg4[%add3A_184, %dma_start3A_192] : memref<819200x128xf32, #tpu.memory_space<hbm>> -> memref<128x128xf32, #tpu.memory_space<hbm>>
      %dma_start3A_194 = arith.constant 0 : i32
      %dma_start3A_195 = arith.constant 0 : i32
      %dma_start3A_196 = tpu.memref_slice %arg6[%dma_start3A_185, %dma_start3A_194, %dma_start3A_195] : memref<5x128x128xf32, #tpu.memory_space<vmem>> -> memref<1x128x128xf32, #tpu.memory_space<vmem>>
      %dma_start3A_197 = tpu.memref_squeeze %dma_start3A_196 : memref<1x128x128xf32, #tpu.memory_space<vmem>> -> memref<128x128xf32, #tpu.memory_space<vmem>>
      tpu.enqueue_dma source(%dma_start3A_197 : memref<128x128xf32, #tpu.memory_space<vmem>>) target(%dma_start3A_193 : memref<128x128xf32, #tpu.memory_space<hbm>>) target_semaphore(%arg12 : memref<!tpu.dma_semaphore, #tpu.memory_space<semaphore_mem>>)
      %dma_wait3A_198 = arith.constant 1 : i32
      %dma_wait3A_199 = arith.constant 0 : i32
      %dma_wait3A_200 = arith.constant 0 : i32
      %dma_wait3A_201 = tpu.memref_slice %arg6[%dma_wait3A_198, %dma_wait3A_199, %dma_wait3A_200] : memref<5x128x128xf32, #tpu.memory_space<vmem>> -> memref<1x128x128xf32, #tpu.memory_space<vmem>>
      %dma_wait3A_202 = tpu.memref_squeeze %dma_wait3A_201 : memref<1x128x128xf32, #tpu.memory_space<vmem>> -> memref<128x128xf32, #tpu.memory_space<vmem>>
      %dma_wait3A_203 = tpu.memref_slice %arg5[%mul3A_107] : memref<25600xi32, #tpu.memory_space<vmem>> -> memref<128xi32, #tpu.memory_space<vmem>>
      %dma_wait3A_204 = arith.constant 0 : i32
      %dma_wait3A_205 = arith.constant 0 : i32
      %dma_wait3A_206 = tpu.memref_slice %arg3[%dma_wait3A_204, %dma_wait3A_205] : memref<100000x128xf32, #tpu.memory_space<hbm>> -> memref<100000x128xf32, #tpu.memory_space<hbm>>
      tpu.wait_indirect_dma semaphore(%arg8 : memref<!tpu.dma_semaphore, #tpu.memory_space<semaphore_mem>>) src(%dma_wait3A_206 : memref<100000x128xf32, #tpu.memory_space<hbm>>) dst(%dma_wait3A_202 : memref<128x128xf32, #tpu.memory_space<vmem>>)
      %add3A_207 = arith.constant 1 : i32
      %add3A_208 = arith.addi %mul3A_84, %add3A_207 : i32
      %mul3A_209 = arith.constant 128 : i32
      %mul3A_210 = arith.muli %add3A_208, %mul3A_209 : i32
      %add3A_211 = arith.addi %mul3A_2, %mul3A_210 : i32
      %dma_start3A_212 = arith.constant 1 : i32
      %dma_start3A_213 = arith.constant 0 : i32
      %dma_start3A_214 = arith.constant 0 : i32
      %dma_start3A_215 = tpu.memref_slice %arg6[%dma_start3A_212, %dma_start3A_213, %dma_start3A_214] : memref<5x128x128xf32, #tpu.memory_space<vmem>> -> memref<1x128x128xf32, #tpu.memory_space<vmem>>
      %dma_start3A_216 = tpu.memref_squeeze %dma_start3A_215 : memref<1x128x128xf32, #tpu.memory_space<vmem>> -> memref<128x128xf32, #tpu.memory_space<vmem>>
      %dma_start3A_217 = arith.constant 0 : i32
      %dma_start3A_218 = tpu.memref_slice %arg4[%add3A_211, %dma_start3A_217] : memref<819200x128xf32, #tpu.memory_space<hbm>> -> memref<128x128xf32, #tpu.memory_space<hbm>>
      %dma_start3A_219 = arith.constant 0 : i32
      %dma_start3A_220 = tpu.memref_slice %arg4[%add3A_211, %dma_start3A_219] : memref<819200x128xf32, #tpu.memory_space<hbm>> -> memref<128x128xf32, #tpu.memory_space<hbm>>
      %dma_start3A_221 = arith.constant 0 : i32
      %dma_start3A_222 = arith.constant 0 : i32
      %dma_start3A_223 = tpu.memref_slice %arg6[%dma_start3A_212, %dma_start3A_221, %dma_start3A_222] : memref<5x128x128xf32, #tpu.memory_space<vmem>> -> memref<1x128x128xf32, #tpu.memory_space<vmem>>
      %dma_start3A_224 = tpu.memref_squeeze %dma_start3A_223 : memref<1x128x128xf32, #tpu.memory_space<vmem>> -> memref<128x128xf32, #tpu.memory_space<vmem>>
      tpu.enqueue_dma source(%dma_start3A_224 : memref<128x128xf32, #tpu.memory_space<vmem>>) target(%dma_start3A_220 : memref<128x128xf32, #tpu.memory_space<hbm>>) target_semaphore(%arg13 : memref<!tpu.dma_semaphore, #tpu.memory_space<semaphore_mem>>)
      %dma_wait3A_225 = arith.constant 2 : i32
      %dma_wait3A_226 = arith.constant 0 : i32
      %dma_wait3A_227 = arith.constant 0 : i32
      %dma_wait3A_228 = tpu.memref_slice %arg6[%dma_wait3A_225, %dma_wait3A_226, %dma_wait3A_227] : memref<5x128x128xf32, #tpu.memory_space<vmem>> -> memref<1x128x128xf32, #tpu.memory_space<vmem>>
      %dma_wait3A_229 = tpu.memref_squeeze %dma_wait3A_228 : memref<1x128x128xf32, #tpu.memory_space<vmem>> -> memref<128x128xf32, #tpu.memory_space<vmem>>
      %dma_wait3A_230 = tpu.memref_slice %arg5[%mul3A_125] : memref<25600xi32, #tpu.memory_space<vmem>> -> memref<128xi32, #tpu.memory_space<vmem>>
      %dma_wait3A_231 = arith.constant 0 : i32
      %dma_wait3A_232 = arith.constant 0 : i32
      %dma_wait3A_233 = tpu.memref_slice %arg3[%dma_wait3A_231, %dma_wait3A_232] : memref<100000x128xf32, #tpu.memory_space<hbm>> -> memref<100000x128xf32, #tpu.memory_space<hbm>>
      tpu.wait_indirect_dma semaphore(%arg9 : memref<!tpu.dma_semaphore, #tpu.memory_space<semaphore_mem>>) src(%dma_wait3A_233 : memref<100000x128xf32, #tpu.memory_space<hbm>>) dst(%dma_wait3A_229 : memref<128x128xf32, #tpu.memory_space<vmem>>)
      %add3A_234 = arith.constant 2 : i32
      %add3A_235 = arith.addi %mul3A_84, %add3A_234 : i32
      %mul3A_236 = arith.constant 128 : i32
      %mul3A_237 = arith.muli %add3A_235, %mul3A_236 : i32
      %add3A_238 = arith.addi %mul3A_2, %mul3A_237 : i32
      %dma_start3A_239 = arith.constant 2 : i32
      %dma_start3A_240 = arith.constant 0 : i32
      %dma_start3A_241 = arith.constant 0 : i32
      %dma_start3A_242 = tpu.memref_slice %arg6[%dma_start3A_239, %dma_start3A_240, %dma_start3A_241] : memref<5x128x128xf32, #tpu.memory_space<vmem>> -> memref<1x128x128xf32, #tpu.memory_space<vmem>>
      %dma_start3A_243 = tpu.memref_squeeze %dma_start3A_242 : memref<1x128x128xf32, #tpu.memory_space<vmem>> -> memref<128x128xf32, #tpu.memory_space<vmem>>
      %dma_start3A_244 = arith.constant 0 : i32
      %dma_start3A_245 = tpu.memref_slice %arg4[%add3A_238, %dma_start3A_244] : memref<819200x128xf32, #tpu.memory_space<hbm>> -> memref<128x128xf32, #tpu.memory_space<hbm>>
      %dma_start3A_246 = arith.constant 0 : i32
      %dma_start3A_247 = tpu.memref_slice %arg4[%add3A_238, %dma_start3A_246] : memref<819200x128xf32, #tpu.memory_space<hbm>> -> memref<128x128xf32, #tpu.memory_space<hbm>>
      %dma_start3A_248 = arith.constant 0 : i32
      %dma_start3A_249 = arith.constant 0 : i32
      %dma_start3A_250 = tpu.memref_slice %arg6[%dma_start3A_239, %dma_start3A_248, %dma_start3A_249] : memref<5x128x128xf32, #tpu.memory_space<vmem>> -> memref<1x128x128xf32, #tpu.memory_space<vmem>>
      %dma_start3A_251 = tpu.memref_squeeze %dma_start3A_250 : memref<1x128x128xf32, #tpu.memory_space<vmem>> -> memref<128x128xf32, #tpu.memory_space<vmem>>
      tpu.enqueue_dma source(%dma_start3A_251 : memref<128x128xf32, #tpu.memory_space<vmem>>) target(%dma_start3A_247 : memref<128x128xf32, #tpu.memory_space<hbm>>) target_semaphore(%arg14 : memref<!tpu.dma_semaphore, #tpu.memory_space<semaphore_mem>>)
      %dma_wait3A_252 = arith.constant 3 : i32
      %dma_wait3A_253 = arith.constant 0 : i32
      %dma_wait3A_254 = arith.constant 0 : i32
      %dma_wait3A_255 = tpu.memref_slice %arg6[%dma_wait3A_252, %dma_wait3A_253, %dma_wait3A_254] : memref<5x128x128xf32, #tpu.memory_space<vmem>> -> memref<1x128x128xf32, #tpu.memory_space<vmem>>
      %dma_wait3A_256 = tpu.memref_squeeze %dma_wait3A_255 : memref<1x128x128xf32, #tpu.memory_space<vmem>> -> memref<128x128xf32, #tpu.memory_space<vmem>>
      %dma_wait3A_257 = tpu.memref_slice %arg5[%mul3A_143] : memref<25600xi32, #tpu.memory_space<vmem>> -> memref<128xi32, #tpu.memory_space<vmem>>
      %dma_wait3A_258 = arith.constant 0 : i32
      %dma_wait3A_259 = arith.constant 0 : i32
      %dma_wait3A_260 = tpu.memref_slice %arg3[%dma_wait3A_258, %dma_wait3A_259] : memref<100000x128xf32, #tpu.memory_space<hbm>> -> memref<100000x128xf32, #tpu.memory_space<hbm>>
      tpu.wait_indirect_dma semaphore(%arg10 : memref<!tpu.dma_semaphore, #tpu.memory_space<semaphore_mem>>) src(%dma_wait3A_260 : memref<100000x128xf32, #tpu.memory_space<hbm>>) dst(%dma_wait3A_256 : memref<128x128xf32, #tpu.memory_space<vmem>>)
      %add3A_261 = arith.constant 3 : i32
      %add3A_262 = arith.addi %mul3A_84, %add3A_261 : i32
      %mul3A_263 = arith.constant 128 : i32
      %mul3A_264 = arith.muli %add3A_262, %mul3A_263 : i32
      %add3A_265 = arith.addi %mul3A_2, %mul3A_264 : i32
      %dma_start3A_266 = arith.constant 3 : i32
      %dma_start3A_267 = arith.constant 0 : i32
      %dma_start3A_268 = arith.constant 0 : i32
      %dma_start3A_269 = tpu.memref_slice %arg6[%dma_start3A_266, %dma_start3A_267, %dma_start3A_268] : memref<5x128x128xf32, #tpu.memory_space<vmem>> -> memref<1x128x128xf32, #tpu.memory_space<vmem>>
      %dma_start3A_270 = tpu.memref_squeeze %dma_start3A_269 : memref<1x128x128xf32, #tpu.memory_space<vmem>> -> memref<128x128xf32, #tpu.memory_space<vmem>>
      %dma_start3A_271 = arith.constant 0 : i32
      %dma_start3A_272 = tpu.memref_slice %arg4[%add3A_265, %dma_start3A_271] : memref<819200x128xf32, #tpu.memory_space<hbm>> -> memref<128x128xf32, #tpu.memory_space<hbm>>
      %dma_start3A_273 = arith.constant 0 : i32
      %dma_start3A_274 = tpu.memref_slice %arg4[%add3A_265, %dma_start3A_273] : memref<819200x128xf32, #tpu.memory_space<hbm>> -> memref<128x128xf32, #tpu.memory_space<hbm>>
      %dma_start3A_275 = arith.constant 0 : i32
      %dma_start3A_276 = arith.constant 0 : i32
      %dma_start3A_277 = tpu.memref_slice %arg6[%dma_start3A_266, %dma_start3A_275, %dma_start3A_276] : memref<5x128x128xf32, #tpu.memory_space<vmem>> -> memref<1x128x128xf32, #tpu.memory_space<vmem>>
      %dma_start3A_278 = tpu.memref_squeeze %dma_start3A_277 : memref<1x128x128xf32, #tpu.memory_space<vmem>> -> memref<128x128xf32, #tpu.memory_space<vmem>>
      tpu.enqueue_dma source(%dma_start3A_278 : memref<128x128xf32, #tpu.memory_space<vmem>>) target(%dma_start3A_274 : memref<128x128xf32, #tpu.memory_space<hbm>>) target_semaphore(%arg15 : memref<!tpu.dma_semaphore, #tpu.memory_space<semaphore_mem>>)
      %dma_wait3A_279 = arith.constant 4 : i32
      %dma_wait3A_280 = arith.constant 0 : i32
      %dma_wait3A_281 = arith.constant 0 : i32
      %dma_wait3A_282 = tpu.memref_slice %arg6[%dma_wait3A_279, %dma_wait3A_280, %dma_wait3A_281] : memref<5x128x128xf32, #tpu.memory_space<vmem>> -> memref<1x128x128xf32, #tpu.memory_space<vmem>>
      %dma_wait3A_283 = tpu.memref_squeeze %dma_wait3A_282 : memref<1x128x128xf32, #tpu.memory_space<vmem>> -> memref<128x128xf32, #tpu.memory_space<vmem>>
      %dma_wait3A_284 = tpu.memref_slice %arg5[%mul3A_161] : memref<25600xi32, #tpu.memory_space<vmem>> -> memref<128xi32, #tpu.memory_space<vmem>>
      %dma_wait3A_285 = arith.constant 0 : i32
      %dma_wait3A_286 = arith.constant 0 : i32
      %dma_wait3A_287 = tpu.memref_slice %arg3[%dma_wait3A_285, %dma_wait3A_286] : memref<100000x128xf32, #tpu.memory_space<hbm>> -> memref<100000x128xf32, #tpu.memory_space<hbm>>
      tpu.wait_indirect_dma semaphore(%arg11 : memref<!tpu.dma_semaphore, #tpu.memory_space<semaphore_mem>>) src(%dma_wait3A_287 : memref<100000x128xf32, #tpu.memory_space<hbm>>) dst(%dma_wait3A_283 : memref<128x128xf32, #tpu.memory_space<vmem>>)
      %add3A_288 = arith.constant 4 : i32
      %add3A_289 = arith.addi %mul3A_84, %add3A_288 : i32
      %mul3A_290 = arith.constant 128 : i32
      %mul3A_291 = arith.muli %add3A_289, %mul3A_290 : i32
      %add3A_292 = arith.addi %mul3A_2, %mul3A_291 : i32
      %dma_start3A_293 = arith.constant 4 : i32
      %dma_start3A_294 = arith.constant 0 : i32
      %dma_start3A_295 = arith.constant 0 : i32
      %dma_start3A_296 = tpu.memref_slice %arg6[%dma_start3A_293, %dma_start3A_294, %dma_start3A_295] : memref<5x128x128xf32, #tpu.memory_space<vmem>> -> memref<1x128x128xf32, #tpu.memory_space<vmem>>
      %dma_start3A_297 = tpu.memref_squeeze %dma_start3A_296 : memref<1x128x128xf32, #tpu.memory_space<vmem>> -> memref<128x128xf32, #tpu.memory_space<vmem>>
      %dma_start3A_298 = arith.constant 0 : i32
      %dma_start3A_299 = tpu.memref_slice %arg4[%add3A_292, %dma_start3A_298] : memref<819200x128xf32, #tpu.memory_space<hbm>> -> memref<128x128xf32, #tpu.memory_space<hbm>>
      %dma_start3A_300 = arith.constant 0 : i32
      %dma_start3A_301 = tpu.memref_slice %arg4[%add3A_292, %dma_start3A_300] : memref<819200x128xf32, #tpu.memory_space<hbm>> -> memref<128x128xf32, #tpu.memory_space<hbm>>
      %dma_start3A_302 = arith.constant 0 : i32
      %dma_start3A_303 = arith.constant 0 : i32
      %dma_start3A_304 = tpu.memref_slice %arg6[%dma_start3A_293, %dma_start3A_302, %dma_start3A_303] : memref<5x128x128xf32, #tpu.memory_space<vmem>> -> memref<1x128x128xf32, #tpu.memory_space<vmem>>
      %dma_start3A_305 = tpu.memref_squeeze %dma_start3A_304 : memref<1x128x128xf32, #tpu.memory_space<vmem>> -> memref<128x128xf32, #tpu.memory_space<vmem>>
      tpu.enqueue_dma source(%dma_start3A_305 : memref<128x128xf32, #tpu.memory_space<vmem>>) target(%dma_start3A_301 : memref<128x128xf32, #tpu.memory_space<hbm>>) target_semaphore(%arg16 : memref<!tpu.dma_semaphore, #tpu.memory_space<semaphore_mem>>)
    }
    %scan3A_7 = arith.constant 40 : i32
    %dma_wait3A = arith.constant 0 : i32
    %dma_wait3A_8 = arith.constant 0 : i32
    %dma_wait3A_9 = arith.constant 0 : i32
    %dma_wait3A_10 = tpu.memref_slice %arg6[%dma_wait3A, %dma_wait3A_8, %dma_wait3A_9] : memref<5x128x128xf32, #tpu.memory_space<vmem>> -> memref<1x128x128xf32, #tpu.memory_space<vmem>>
    %dma_wait3A_11 = tpu.memref_squeeze %dma_wait3A_10 : memref<1x128x128xf32, #tpu.memory_space<vmem>> -> memref<128x128xf32, #tpu.memory_space<vmem>>
    %dma_wait3A_12 = arith.constant 0 : i32
    %dma_wait3A_13 = arith.constant 0 : i32
    %dma_wait3A_14 = tpu.memref_slice %arg4[%dma_wait3A_12, %dma_wait3A_13] : memref<819200x128xf32, #tpu.memory_space<hbm>> -> memref<128x128xf32, #tpu.memory_space<hbm>>
    %dma_wait3A_15 = arith.constant 0 : i32
    %dma_wait3A_16 = arith.constant 0 : i32
    %dma_wait3A_17 = tpu.memref_slice %arg4[%dma_wait3A_15, %dma_wait3A_16] : memref<819200x128xf32, #tpu.memory_space<hbm>> -> memref<128x128xf32, #tpu.memory_space<hbm>>
    %dma_wait3A_18 = arith.constant 0 : i32
    %dma_wait3A_19 = arith.constant 0 : i32
    %dma_wait3A_20 = tpu.memref_slice %arg6[%dma_wait3A, %dma_wait3A_18, %dma_wait3A_19] : memref<5x128x128xf32, #tpu.memory_space<vmem>> -> memref<1x128x128xf32, #tpu.memory_space<vmem>>
    %dma_wait3A_21 = tpu.memref_squeeze %dma_wait3A_20 : memref<1x128x128xf32, #tpu.memory_space<vmem>> -> memref<128x128xf32, #tpu.memory_space<vmem>>
    tpu.wait_dma2 semaphore(%arg12 : memref<!tpu.dma_semaphore, #tpu.memory_space<semaphore_mem>>) src(%dma_wait3A_21 : memref<128x128xf32, #tpu.memory_space<vmem>>) dst(%dma_wait3A_17 : memref<128x128xf32, #tpu.memory_space<hbm>>)
    %dma_wait3A_22 = arith.constant 1 : i32
    %dma_wait3A_23 = arith.constant 0 : i32
    %dma_wait3A_24 = arith.constant 0 : i32
    %dma_wait3A_25 = tpu.memref_slice %arg6[%dma_wait3A_22, %dma_wait3A_23, %dma_wait3A_24] : memref<5x128x128xf32, #tpu.memory_space<vmem>> -> memref<1x128x128xf32, #tpu.memory_space<vmem>>
    %dma_wait3A_26 = tpu.memref_squeeze %dma_wait3A_25 : memref<1x128x128xf32, #tpu.memory_space<vmem>> -> memref<128x128xf32, #tpu.memory_space<vmem>>
    %dma_wait3A_27 = arith.constant 0 : i32
    %dma_wait3A_28 = arith.constant 0 : i32
    %dma_wait3A_29 = tpu.memref_slice %arg4[%dma_wait3A_27, %dma_wait3A_28] : memref<819200x128xf32, #tpu.memory_space<hbm>> -> memref<128x128xf32, #tpu.memory_space<hbm>>
    %dma_wait3A_30 = arith.constant 0 : i32
    %dma_wait3A_31 = arith.constant 0 : i32
    %dma_wait3A_32 = tpu.memref_slice %arg4[%dma_wait3A_30, %dma_wait3A_31] : memref<819200x128xf32, #tpu.memory_space<hbm>> -> memref<128x128xf32, #tpu.memory_space<hbm>>
    %dma_wait3A_33 = arith.constant 0 : i32
    %dma_wait3A_34 = arith.constant 0 : i32
    %dma_wait3A_35 = tpu.memref_slice %arg6[%dma_wait3A_22, %dma_wait3A_33, %dma_wait3A_34] : memref<5x128x128xf32, #tpu.memory_space<vmem>> -> memref<1x128x128xf32, #tpu.memory_space<vmem>>
    %dma_wait3A_36 = tpu.memref_squeeze %dma_wait3A_35 : memref<1x128x128xf32, #tpu.memory_space<vmem>> -> memref<128x128xf32, #tpu.memory_space<vmem>>
    tpu.wait_dma2 semaphore(%arg13 : memref<!tpu.dma_semaphore, #tpu.memory_space<semaphore_mem>>) src(%dma_wait3A_36 : memref<128x128xf32, #tpu.memory_space<vmem>>) dst(%dma_wait3A_32 : memref<128x128xf32, #tpu.memory_space<hbm>>)
    %dma_wait3A_37 = arith.constant 2 : i32
    %dma_wait3A_38 = arith.constant 0 : i32
    %dma_wait3A_39 = arith.constant 0 : i32
    %dma_wait3A_40 = tpu.memref_slice %arg6[%dma_wait3A_37, %dma_wait3A_38, %dma_wait3A_39] : memref<5x128x128xf32, #tpu.memory_space<vmem>> -> memref<1x128x128xf32, #tpu.memory_space<vmem>>
    %dma_wait3A_41 = tpu.memref_squeeze %dma_wait3A_40 : memref<1x128x128xf32, #tpu.memory_space<vmem>> -> memref<128x128xf32, #tpu.memory_space<vmem>>
    %dma_wait3A_42 = arith.constant 0 : i32
    %dma_wait3A_43 = arith.constant 0 : i32
    %dma_wait3A_44 = tpu.memref_slice %arg4[%dma_wait3A_42, %dma_wait3A_43] : memref<819200x128xf32, #tpu.memory_space<hbm>> -> memref<128x128xf32, #tpu.memory_space<hbm>>
    %dma_wait3A_45 = arith.constant 0 : i32
    %dma_wait3A_46 = arith.constant 0 : i32
    %dma_wait3A_47 = tpu.memref_slice %arg4[%dma_wait3A_45, %dma_wait3A_46] : memref<819200x128xf32, #tpu.memory_space<hbm>> -> memref<128x128xf32, #tpu.memory_space<hbm>>
    %dma_wait3A_48 = arith.constant 0 : i32
    %dma_wait3A_49 = arith.constant 0 : i32
    %dma_wait3A_50 = tpu.memref_slice %arg6[%dma_wait3A_37, %dma_wait3A_48, %dma_wait3A_49] : memref<5x128x128xf32, #tpu.memory_space<vmem>> -> memref<1x128x128xf32, #tpu.memory_space<vmem>>
    %dma_wait3A_51 = tpu.memref_squeeze %dma_wait3A_50 : memref<1x128x128xf32, #tpu.memory_space<vmem>> -> memref<128x128xf32, #tpu.memory_space<vmem>>
    tpu.wait_dma2 semaphore(%arg14 : memref<!tpu.dma_semaphore, #tpu.memory_space<semaphore_mem>>) src(%dma_wait3A_51 : memref<128x128xf32, #tpu.memory_space<vmem>>) dst(%dma_wait3A_47 : memref<128x128xf32, #tpu.memory_space<hbm>>)
    %dma_wait3A_52 = arith.constant 3 : i32
    %dma_wait3A_53 = arith.constant 0 : i32
    %dma_wait3A_54 = arith.constant 0 : i32
    %dma_wait3A_55 = tpu.memref_slice %arg6[%dma_wait3A_52, %dma_wait3A_53, %dma_wait3A_54] : memref<5x128x128xf32, #tpu.memory_space<vmem>> -> memref<1x128x128xf32, #tpu.memory_space<vmem>>
    %dma_wait3A_56 = tpu.memref_squeeze %dma_wait3A_55 : memref<1x128x128xf32, #tpu.memory_space<vmem>> -> memref<128x128xf32, #tpu.memory_space<vmem>>
    %dma_wait3A_57 = arith.constant 0 : i32
    %dma_wait3A_58 = arith.constant 0 : i32
    %dma_wait3A_59 = tpu.memref_slice %arg4[%dma_wait3A_57, %dma_wait3A_58] : memref<819200x128xf32, #tpu.memory_space<hbm>> -> memref<128x128xf32, #tpu.memory_space<hbm>>
    %dma_wait3A_60 = arith.constant 0 : i32
    %dma_wait3A_61 = arith.constant 0 : i32
    %dma_wait3A_62 = tpu.memref_slice %arg4[%dma_wait3A_60, %dma_wait3A_61] : memref<819200x128xf32, #tpu.memory_space<hbm>> -> memref<128x128xf32, #tpu.memory_space<hbm>>
    %dma_wait3A_63 = arith.constant 0 : i32
    %dma_wait3A_64 = arith.constant 0 : i32
    %dma_wait3A_65 = tpu.memref_slice %arg6[%dma_wait3A_52, %dma_wait3A_63, %dma_wait3A_64] : memref<5x128x128xf32, #tpu.memory_space<vmem>> -> memref<1x128x128xf32, #tpu.memory_space<vmem>>
    %dma_wait3A_66 = tpu.memref_squeeze %dma_wait3A_65 : memref<1x128x128xf32, #tpu.memory_space<vmem>> -> memref<128x128xf32, #tpu.memory_space<vmem>>
    tpu.wait_dma2 semaphore(%arg15 : memref<!tpu.dma_semaphore, #tpu.memory_space<semaphore_mem>>) src(%dma_wait3A_66 : memref<128x128xf32, #tpu.memory_space<vmem>>) dst(%dma_wait3A_62 : memref<128x128xf32, #tpu.memory_space<hbm>>)
    %dma_wait3A_67 = arith.constant 4 : i32
    %dma_wait3A_68 = arith.constant 0 : i32
    %dma_wait3A_69 = arith.constant 0 : i32
    %dma_wait3A_70 = tpu.memref_slice %arg6[%dma_wait3A_67, %dma_wait3A_68, %dma_wait3A_69] : memref<5x128x128xf32, #tpu.memory_space<vmem>> -> memref<1x128x128xf32, #tpu.memory_space<vmem>>
    %dma_wait3A_71 = tpu.memref_squeeze %dma_wait3A_70 : memref<1x128x128xf32, #tpu.memory_space<vmem>> -> memref<128x128xf32, #tpu.memory_space<vmem>>
    %dma_wait3A_72 = arith.constant 0 : i32
    %dma_wait3A_73 = arith.constant 0 : i32
    %dma_wait3A_74 = tpu.memref_slice %arg4[%dma_wait3A_72, %dma_wait3A_73] : memref<819200x128xf32, #tpu.memory_space<hbm>> -> memref<128x128xf32, #tpu.memory_space<hbm>>
    %dma_wait3A_75 = arith.constant 0 : i32
    %dma_wait3A_76 = arith.constant 0 : i32
    %dma_wait3A_77 = tpu.memref_slice %arg4[%dma_wait3A_75, %dma_wait3A_76] : memref<819200x128xf32, #tpu.memory_space<hbm>> -> memref<128x128xf32, #tpu.memory_space<hbm>>
    %dma_wait3A_78 = arith.constant 0 : i32
    %dma_wait3A_79 = arith.constant 0 : i32
    %dma_wait3A_80 = tpu.memref_slice %arg6[%dma_wait3A_67, %dma_wait3A_78, %dma_wait3A_79] : memref<5x128x128xf32, #tpu.memory_space<vmem>> -> memref<1x128x128xf32, #tpu.memory_space<vmem>>
    %dma_wait3A_81 = tpu.memref_squeeze %dma_wait3A_80 : memref<1x128x128xf32, #tpu.memory_space<vmem>> -> memref<128x128xf32, #tpu.memory_space<vmem>>
    tpu.wait_dma2 semaphore(%arg16 : memref<!tpu.dma_semaphore, #tpu.memory_space<semaphore_mem>>) src(%dma_wait3A_81 : memref<128x128xf32, #tpu.memory_space<vmem>>) dst(%dma_wait3A_77 : memref<128x128xf32, #tpu.memory_space<hbm>>)
    return
  }
}

</mosaic_0001>

<sc_bundles>
// kernel: kernel.3.cloned.1.call-start
scs
__scs_entry_jumppad:
0x0: {  	(pc) =	sbr.rel $0x88, $3  }
0x1: {  	(tag) =	ssettag $0x0;
	lr =	simm.s32 $0x1  }
0x2: {  	[smem:$0x3F9F] =	sst lr;
	_ =	strace $0xD0000000  }
0x3: {  	_ = 	snop  }
0x4: {  	_ = 	snop  }
0x5: {  	_ = 	snop  }
0x6: {  	_ = 	snop  }
0x7: {  	_ = 	snop  }
__scs_overlays_trampoline_lowered:
0x8: {  	[smem:$0x3FAE] =	sst s0  }
0x9: {  	[smem:$0x3FAF] =	sst s1  }
0xa: {  	[smem:$0x3FB0] =	sst s2  }
0xb: {  	[smem:$0x3FB1] =	sst s3  }
0xc: {  	[smem:$0x3FB2] =	sst s4  }
0xd: {  	[smem:$0x3FB3] =	sst s5  }
0xe: {  	[smem:$0x3FB4] =	sst s6  }
0xf: {  	[smem:$0x3FB5] =	sst s7  }
0x10: {  	[smem:$0x3FB6] =	sst s8  }
0x11: {  	[smem:$0x3FB7] =	sst s9;
	s0 =	simm.s32 @!p0 $0x0  }
0x12: {  	s1 =	sld [smem:$0x3F9D];
	s0 =	simm.s32 @p0 $0x1  }
0x13: {  	[smem:$0x3FB8] =	sst s0;
	s0 =	simm.s32 @!p1 $0x0  }
0x14: {  	s2 =	sld [smem:$0x3F9C];
	s0 =	simm.s32 @p1 $0x1  }
0x15: {  	[smem:$0x3FB9] =	sst s0;
	s0 =	simm.s32 @!p2 $0x0  }
0x16: {  	s3 =	sld [smem:$0x3FDB];
	s0 =	simm.s32 @p2 $0x1  }
0x17: {  	s4 =	simm.s32 $0x1BF5;
	[smem:$0x3FBB] =	sst s0  }
0x18: {  	s0 =	sld [smem:$0x3F9E];
	_ =	swait.ge [sflag:s4], $0x0  }
0x19: {  	s7 =	sld [smem:$0x3F9F]  }
0x1a: {  	s8 =	sadd.s32 $0xFFFFE003, lr  }
0x1b: {  	s9 =	sadd.s32 $0xFFFFFEF7, lr;
	s5 =	simm.s32 $0xFFFFFFFF;
	p2 =	slt.u32 s8, $0xFFFFF086  }
0x1c: {  	p1 =	slt.u32 s9, $0xF7A;
	s5 =	simm.s32 @!p2 $0x0  }
0x1d: {  	s5 =	simm.s32 @p1 $0x1;
	p0 =	seq.s32 s7, s2  }
0x1e: {  	s7 =	smul.u32 @!p0 $0xF7A, s2;
	p2 =	seq.s32 @!p0 s5, $0x0  }
0x1f: {  	s9 =	smul.u32 $0xF7A, s1;
	s8 =	simm.s32 @!p0 $0x1BF5;
	p2 =	por !p2, p0  }
0x20: {  	[sflag:s8] =	ssyncset.s32 @!p0 $0xFFFFF086;
	s6 =	sadd.s32 @!p0 s3, s7;
	s7 =	simm.s32 @!p0 $0x108  }
0x21: {  	s3 =	sadd.s32 s3, s9;
	s6 =	sadd.s32 @!p0 $0x88, s6;
	s7 =	simm.s32 @p2 $0x1082  }
0x22: {  	[simem:s7], [sflag:s8] =	dma.local @!p0 [hbm:s6], $0xF7A  }
0x23: {  	s9 =	sor.u32 $0xD0000000, s2;
	s6 =	simm.s32 $0x108;
	_ =	swait.ge @!p0 [sflag:s8], $0x0  }
0x24: {  	s3 =	sadd.s32 $0x88, s3;
	s6 =	simm.s32 @!p1 $0x1082;
	[sflag:s4] =	ssyncset.s32 $0xFFFFF086  }
0x25: {  	[simem:s6], [sflag:s4] =	dma.local [hbm:s3], $0xF7A  }
0x26: {  	[smem:$0x3F9F] =	sst s1;
	(tag) =	ssettag s2;
	_ =	strace s9  }
0x27: {  	s1 =	sld [smem:$0x3FAF]  }
0x28: {  	s2 =	sld [smem:$0x3FB0]  }
0x29: {  	s4 =	sld [smem:$0x3FB2]  }
0x2a: {  	p0 =	seq.s32 s5, $0x0;
	s5 =	sld [smem:$0x3FB3]  }
0x2b: {  	s6 =	sld [smem:$0x3FB4]  }
0x2c: {  	s7 =	sld [smem:$0x3FB5]  }
0x2d: {  	s3 =	simm.s32 $0x108;
	s8 =	sld [smem:$0x3FB6]  }
0x2e: {  	s3 =	simm.s32 @!p0 $0x1082;
	s9 =	sld [smem:$0x3FB7]  }
0x2f: {  	lr =	sadd.s32 s0, s3;
	s0 =	sld [smem:$0x3FAE]  }
0x30: {  	s3 =	sld [smem:$0x3FB1]  }
0x31: {  	[smem:$0x3FBA] =	sst s10  }
0x32: {  	s10 =	sld [smem:$0x3FB8];
	_ =	sdelay $0x3  }
0x33: {  	p0 =	seq.s32 s10, $0x1;
	s10 =	sld [smem:$0x3FBA];
	_ =	sdelay $0x3  }
0x34: {  	[smem:$0x3FBA] =	sst s10  }
0x35: {  	s10 =	sld [smem:$0x3FB9];
	_ =	sdelay $0x3  }
0x36: {  	p1 =	seq.s32 s10, $0x1;
	s10 =	sld [smem:$0x3FBA];
	_ =	sdelay $0x3  }
0x37: {  	[smem:$0x3FBA] =	sst s10  }
0x38: {  	s10 =	sld [smem:$0x3FBB]  }
0x39: {  	_ = 	snop;
	(pc) =	sbr.ind lr, $3  }
0x3a: {  	_ = 	snop  }
0x3b: {  	_ = 	snop  }
0x3c: {  	p2 =	seq.s32 s10, $0x1;
	s10 =	sld [smem:$0x3FBA]  }
0x3d: {  	_ =	shalt  }
0x3e: {  	_ =	shalt  }
0x3f: {  	_ =	shalt  }
0x40: {  	_ =	shalt  }
0x41: {  	_ =	shalt  }
0x42: {  	_ =	shalt  }
0x43: {  	_ =	shalt  }
0x44: {  	_ =	shalt  }
0x45: {  	_ =	shalt  }
0x46: {  	_ =	shalt  }
0x47: {  	_ =	shalt  }
0x48: {  	_ =	shalt  }
0x49: {  	_ =	shalt  }
0x4a: {  	_ =	shalt  }
0x4b: {  	_ =	shalt  }
0x4c: {  	_ =	shalt  }
0x4d: {  	_ =	shalt  }
0x4e: {  	_ =	shalt  }
0x4f: {  	_ =	shalt  }
0x50: {  	_ =	shalt  }
0x51: {  	_ =	shalt  }
0x52: {  	_ =	shalt  }
0x53: {  	_ =	shalt  }
0x54: {  	_ =	shalt  }
0x55: {  	_ =	shalt  }
0x56: {  	_ =	shalt  }
0x57: {  	_ =	shalt  }
0x58: {  	_ =	shalt  }
0x59: {  	_ =	shalt  }
0x5a: {  	_ =	shalt  }
0x5b: {  	_ =	shalt  }
0x5c: {  	_ =	shalt  }
0x5d: {  	_ =	shalt  }
0x5e: {  	_ =	shalt  }
0x5f: {  	_ =	shalt  }
0x60: {  	_ =	shalt  }
0x61: {  	_ =	shalt  }
0x62: {  	_ =	shalt  }
0x63: {  	_ =	shalt  }
0x64: {  	_ =	shalt  }
0x65: {  	_ =	shalt  }
0x66: {  	_ =	shalt  }
0x67: {  	_ =	shalt  }
0x68: {  	_ =	shalt  }
0x69: {  	_ =	shalt  }
0x6a: {  	_ =	shalt  }
0x6b: {  	_ =	shalt  }
0x6c: {  	_ =	shalt  }
0x6d: {  	_ =	shalt  }
0x6e: {  	_ =	shalt  }
0x6f: {  	_ =	shalt  }
0x70: {  	_ =	shalt  }
0x71: {  	_ =	shalt  }
0x72: {  	_ =	shalt  }
0x73: {  	_ =	shalt  }
0x74: {  	_ =	shalt  }
0x75: {  	_ =	shalt  }
0x76: {  	_ =	shalt  }
0x77: {  	_ =	shalt  }
0x78: {  	_ =	shalt  }
0x79: {  	_ =	shalt  }
0x7a: {  	_ =	shalt  }
0x7b: {  	_ =	shalt  }
0x7c: {  	_ =	shalt  }
0x7d: {  	_ =	shalt  }
0x7e: {  	_ =	shalt  }
0x7f: {  	_ =	shalt  }
0x80: {  	_ =	shalt  }
0x81: {  	_ =	shalt  }
0x82: {  	_ =	shalt  }
0x83: {  	_ =	shalt  }
0x84: {  	_ =	shalt  }
0x85: {  	_ =	shalt  }
0x86: {  	_ =	shalt  }
0x87: {  	_ =	shalt  }
.Lfunc_end0:
.L_simem_size_0:
called_computation_lowered:
.L_overlay_start_0:
0x88: {  	s2 =	sld [smem:$0x3FD9]  }
0x89: {  	s3 =	sld [smem:$0x3FFE];
	_ =	sdelay $0x1  }
0x8a: {  	s1 =	srdreg.scid  }
0x8b: {  	s0 =	sand.u32 $0x1, s1  }
0x8c: {  	s17 =	sshll.u32 s0, $0xA;
	s2 =	sadd.s32 s3, s2  }
0x8d: {  	s2 =	sadd.s32 s2, s17  }
0x8e: {  	[smem:$0x3FC6] =	sst s2  }
0x8f: {  	_ = 	snop  }
0x90: {  	s2 =	sld [smem:$0x3FC8]  }
0x91: {  	s18 =	sld [smem:$0x3FD0];
	(tm) =	ssettm $0x1  }
0x92: {  	s4 =	sld [smem:$0x3FFB];
	_ =	sdelay $0x3  }
0x93: {  	_ =	strace s4  }
0x94: {  	s4 =	sld [smem:$0x3FFC];
	_ =	sdelay $0x3  }
0x95: {  	_ =	strace s4  }
0x96: {  	s4 =	sld [smem:$0x3FFD];
	_ =	sdelay $0x3  }
0x97: {  	_ =	strace s4  }
0x98: {  	_ =	strace $0x8FFFFFFF  }
0x99: {  	s19 =	sld [smem:$0x3FDB];
	_ =	sdelay $0x1  }
0x9a: {  	s5 =	simm.s32 $_scs_section_size  }
0x9b: {  	s6 =	simm.s32 $_size__tile_overlayer_lowered;
	s7 =	simm.s32 $_tile_overlayer_lowered  }
0x9c: {  	s22 =	simm.s32 $0x1BFF;
	s21 =	sshll.u32 s7, $0x1;
	s4 =	sadd.s32 s5, s19  }
0x9d: {  	s8 =	simm.s32 $0x0;
	s20 =	sshll.u32 s6, $0x1;
	s6 =	sadd.s32 s21, s4  }
0x9e: {  	[timem:s8], [sflag:s22] =	dma.local [hbm:s6], s20  }
0x9f: {  	_ =	swait.ge [sflag:s22], s20  }
0xa0: {  	s5 =	ssub.s32 $0x0, s20;
	[sflag:s22] =	ssyncset.done $0x0  }
0xa1: {  	[sflag:s22] =	ssyncadd.s32 s5;
	_ =	sdelay $0x1  }
0xa2: {  	s23 =	simm.s32 $0x1B8B  }
0xa3: {  	_ =	swait.ge [sflag:s23], $0x1  }
0xa4: {  	[sflag:s23] =	ssyncset.done $0x0  }
0xa5: {  	s25 =	simm.s32 $0x1B8E;
	s24 =	sld [smem:$0x3FFE];
	[sflag:s23] =	ssyncadd.s32 $0xFFFFFFFF  }
0xa6: {  	s26 =	simm.s32 $execute0_lowered;
	[smem:$0x3FD2] =	sst s25  }
0xa7: {  	s6 =	sshll.u32 s26, $0x1;
	_ =	strace $0x80000046;
	[dreg:$0x1] =	wrdreg $0xFFFFFFFF  }
0xa8: {  	s28 =	simm.s32 $_size_execute0_lowered;
	s4 =	sadd.s32 s4, s6;
	[dreg:$0x0] =	wrdreg $0x0  }
0xa9: {  	s6 =	sshll.u32 s28, $0x1;
	[dreg:$0x2] =	wrdreg s4  }
0xaa: {  	[dreg:$0x3] =	wrdreg s6  }
0xab: {  	[dreg:$0x4] =	wrdreg $0xC0  }
0xac: {  	_ =	task [dreg:s8], $0x5FFFF  }
0xad: {  	[dreg:$0x1] =	wrdreg $0xFFFFFFFF  }
0xae: {  	[dreg:$0x0] =	wrdreg $0x60  }
0xaf: {  	[dreg:$0x2] =	wrdreg s24  }
0xb0: {  	[dreg:$0x3] =	wrdreg s2  }
0xb1: {  	[dreg:$0x4] =	wrdreg s18  }
0xb2: {  	[dreg:$0x5] =	wrdreg $0x9  }
0xb3: {  	_ =	task.clear_ibuf [dreg:s8], $0x6FFFF;
	_ =	strace $0x90000046  }
0xb4: {  	s29 =	simm.s32 $0x9;
	_ =	strace $0x80000048  }
0xb5: {  	_ =	swait.ge [sflag:s29], $0x1  }
0xb6: {  	[sflag:s29] =	ssyncadd.s32 $0xFFFFFFFF  }
0xb7: {  	_ =	strace $0x90000048  }
0xb8: {  	_ =	sfence  }
0xb9: {  	s30 =	sld [smem:$0x0];
	_ =	sdelay $0x2  }
0xba: {  	s31 =	sshll.u32 s1, $0xD;
	s1 =	sshrl.u32 s1, $0x2  }
0xbb: {  	s3 =	sand.u32 $0x4000, s31;
	s1 =	sadd.s32 s1, s30  }
0xbc: {  	s0 =	sor.u32 s3, s0;
	s1 =	sshll.u32 s1, $0x11  }
0xbd: {  	s0 =	sor.u32 s1, s0  }
0xbe: {  	s0 =	sadd.s32 $0x8F2B, s0  }
0xbf: {  	[sflag:s0] =	ssyncadd.remote.s32 $0x1  }
0xc0: {  	_ =	sfence.sel $0xFFFF  }
0xc1: {  	[dreg:$0x0] =	wrdreg $0xFFFFFFFF;
	(pc) =	sbr.abs _section_cstart, $3  }
0xc2: {  	[dreg:$0x1] =	wrdreg $0xFFFFFFFF  }
0xc3: {  	_ =	task.clear_ibuf [dreg:s8], $0x2FFFF;
	_ =	strace $0x9FFFFFFF  }
0xc4: {  	(tm) =	ssettm $0x7FFFFFFF  }
0xc5: {  	_ =	shalt  }
tec
execute0_lowered:
.L_overlay_start_1:
0x0: {  	(tag) =	ssettag $0x1  }
0x1: {  	s1 =	srdreg.scid;
	s6 =	rddreg [dreg:$0x0]  }
0x2: {  	s0 =	stileid.u32;
	s2 =	rddreg [dreg:$0x1]  }
0x3: {  	s3 =	rddreg [dreg:$0x2];
	s5 =	simm.s32 $0x0;
	s9 =	simm.s32 $0x80  }
0x4: {  	s11 =	simm.s32 $0x6400;
	s10 =	simm.s32 $0x1;
	s12 =	simm.s32 $0xA400  }
0x5: {  	s13 =	simm.s32 $0xE400;
	s14 =	simm.s32 $0x12400;
	s15 =	simm.s32 $0x6  }
0x6: {  	s16 =	simm.s32 $0x7;
	s17 =	simm.s32 $0x8;
	s18 =	simm.s32 $0x9  }
0x7: {  	s19 =	simm.s32 $0xA;
	s7 =	sand.u32 $0x1, s1;
	s29 =	sshll.u32 s0, $0x1  }
0x8: {  	s20 =	simm.s32 $0x0;
	[smem:$0x7FF] =	sst s5;
	s1 =	sor.u32 s7, s29  }
0x9: {  	s7 =	ssub.s32 $0x2, s7;
	_ =	strace $0x80000047;
	[dreg:$0x4] =	wrdreg s9  }
0xa: {  	s9 =	simm.s32 $0x16400;
	[dreg:$0x5] =	wrdreg s11;
	s4 =	smul.u32 $0x6400, s1  }
0xb: {  	s11 =	simm.s32 $0x2;
	[dreg:$0x6] =	wrdreg s12;
	s12 =	simm.s32 $0x3  }
0xc: {  	[dreg:$0x7] =	wrdreg s13;
	s13 =	simm.s32 $0x4;
	s8 =	sshrl.u32 s4, $0x3  }
0xd: {  	[dreg:$0x8] =	wrdreg s14;
	s30 =	sshrl.u32 s7, $0x1;
	s6 =	sadd.s32 s8, s6  }
0xe: {  	s14 =	simm.s32 $0x5;
	s7 =	ssub.s32 s7, s30;
	s31 =	sadd.s32 $0x400, s6  }
0xf: {  	s7 =	smax.u32 s7, $0x1;
	s8 =	simm.s32 $0xB;
	[dreg:$0x9] =	wrdreg s31  }
.LBB2_1:
0x10: {  	s0 =	rddreg [dreg:$0x9]  }
0x11: {  	[tilespmem:s5], [sflag:$0xB] =	stream.linear.gather [hbm4b:s0+s5], $0x6400, $0x38;
	[tilespmem:$0x1A400] =	vst v63  }
0x12: {  	_ =	swait.ge [sflag:s8], $0x6400  }
0x13: {  	p0 =	por $0x0, $0x0;
	[sflag:s8] =	ssyncset.done $0x0  }
0x14: {  	s21 =	simm.s32 @p0 $0x6;
	[sflag:s8] =	ssyncadd.s32 $0xFFFF9C00  }
0x15: {  	_ =	swait.ge @p0 [sflag:s21], $0x4000  }
0x16: {  	s22 =	simm.s32 @p0 $0x0;
	s23 =	simm.s32 @p0 $0x80;
	[sflag:s21] =	ssyncset.done @p0 $0x0  }
0x17: {  	s24 =	simm.s32 @p0 $0x7;
	[sflag:s21] =	ssyncadd.s32 @p0 $0xFFFFC000;
	s21 =	simm.s32 @p0 $0x6400  }
0x18: {  	[tilespmem:s21], [sflag:$0x1] =	stream.indirect.gather @p0 [hbm4b:s2+s23], $0x80, s22, s23, $0xb8;
	[tilespmem:$0x1A400] =	vst v63  }
0x19: {  	_ =	swait.ge @p0 [sflag:s24], $0x4000  }
0x1a: {  	s21 =	simm.s32 @p0 $0x80;
	[sflag:s24] =	ssyncset.done @p0 $0x0  }
0x1b: {  	s22 =	simm.s32 @p0 $0xA400;
	[sflag:s24] =	ssyncadd.s32 @p0 $0xFFFFC000;
	s24 =	simm.s32 @p0 $0x8  }
0x1c: {  	[tilespmem:s22], [sflag:$0x2] =	stream.indirect.gather @p0 [hbm4b:s2+s23], $0x80, s21, s23, $0xb8;
	[tilespmem:$0x1A400] =	vst v63  }
0x1d: {  	_ =	swait.ge @p0 [sflag:s24], $0x4000  }
0x1e: {  	s21 =	simm.s32 @p0 $0x100;
	[sflag:s24] =	ssyncset.done @p0 $0x0  }
0x1f: {  	s22 =	simm.s32 @p0 $0xE400;
	[sflag:s24] =	ssyncadd.s32 @p0 $0xFFFFC000;
	s24 =	simm.s32 @p0 $0x9  }
0x20: {  	[tilespmem:s22], [sflag:$0x3] =	stream.indirect.gather @p0 [hbm4b:s2+s23], $0x80, s21, s23, $0xb8;
	[tilespmem:$0x1A400] =	vst v63  }
0x21: {  	_ =	swait.ge @p0 [sflag:s24], $0x4000  }
0x22: {  	s25 =	simm.s32 @p0 $0xA;
	[sflag:s24] =	ssyncset.done @p0 $0x0  }
0x23: {  	s21 =	simm.s32 $0x180;
	s22 =	simm.s32 @p0 $0x12400;
	[sflag:s24] =	ssyncadd.s32 @p0 $0xFFFFC000  }
0x24: {  	[tilespmem:s22], [sflag:$0x4] =	stream.indirect.gather @p0 [hbm4b:s2+s23], $0x80, s21, s23, $0xb8;
	[tilespmem:$0x1A400] =	vst v63  }
0x25: {  	_ =	swait.ge @p0 [sflag:s25], $0x4000  }
0x26: {  	s21 =	simm.s32 @!p0 $0x80;
	[sflag:s25] =	ssyncset.done @p0 $0x0  }
0x27: {  	s22 =	simm.s32 @!p0 $0x0;
	s23 =	simm.s32 @!p0 $0x6400;
	[sflag:s25] =	ssyncadd.s32 @p0 $0xFFFFC000  }
0x28: {  	[tilespmem:s23], [sflag:$0x1] =	stream.indirect.gather @!p0 [hbm4b:s2+s21], $0x80, s22, s21, $0xb8;
	[tilespmem:$0x1A400] =	vst v63  }
0x29: {  	s23 =	simm.s32 @!p0 $0xA400  }
0x2a: {  	[tilespmem:s23], [sflag:$0x2] =	stream.indirect.gather @!p0 [hbm4b:s2+s21], $0x80, s21, s21, $0xb8;
	[tilespmem:$0x1A400] =	vst v63  }
0x2b: {  	s24 =	simm.s32 @!p0 $0xE400;
	s22 =	simm.s32 @p0 $0x0;
	s23 =	simm.s32 @!p0 $0x100  }
0x2c: {  	[tilespmem:s24], [sflag:$0x3] =	stream.indirect.gather @!p0 [hbm4b:s2+s21], $0x80, s23, s21, $0xb8;
	[tilespmem:$0x1A400] =	vst v63  }
0x2d: {  	s22 =	simm.s32 @!p0 $0x0;
	s23 =	simm.s32 @!p0 $0x180;
	s24 =	simm.s32 @!p0 $0x12400  }
0x2e: {  	[tilespmem:s24], [sflag:$0x4] =	stream.indirect.gather @!p0 [hbm4b:s2+s21], $0x80, s23, s21, $0xb8;
	[tilespmem:$0x1A400] =	vst v63  }
0x2f: {  	s29 =	rddreg [dreg:$0x4];
	s30 =	sadd.s32 s4, s22;
	s24 =	sadd.s32 $0x200, s22  }
0x30: {  	[tilespmem:s9], [sflag:$0x5] =	stream.indirect.gather [hbm4b:s2+s29], $0x80, s24, s29, $0xb8;
	[tilespmem:$0x1A400] =	vst v63  }
0x31: {  	s21 =	sshll.u32 s30, $0x4;
	s23 =	simm.s32 @p0 $0x80;
	_ =	swait.ge [sflag:s10], $0x4000  }
0x32: {  	s22 =	simm.s32 $0x400;
	s21 =	sadd.s32 s3, s21;
	[sflag:s10] =	ssyncset.done $0x0  }
0x33: {  	s23 =	simm.s32 @!p0 $0x80;
	s0 =	rddreg [dreg:$0x5];
	[sflag:s10] =	ssyncadd.s32 $0xFFFFC000  }
0x34: {  	[hbm4b:s21+s5] =	stream.linear.scatter [tilespmem:s0], [sflag:$0x6], $0x4000, $0x38;
	[tilespmem:$0x1A400] =	vst v63  }
0x35: {  	s1 =	sadd.s32 s4, s23;
	s23 =	simm.s32 @p0 $0x100;
	_ =	swait.ge [sflag:s11], $0x4000  }
0x36: {  	s23 =	simm.s32 @!p0 $0x100;
	s21 =	sshll.u32 s1, $0x4;
	[sflag:s11] =	ssyncset.done $0x0  }
0x37: {  	s21 =	sadd.s32 s3, s21;
	s6 =	rddreg [dreg:$0x6];
	[sflag:s11] =	ssyncadd.s32 $0xFFFFC000  }
0x38: {  	[hbm4b:s21+s5] =	stream.linear.scatter [tilespmem:s6], [sflag:$0x7], $0x4000, $0x38;
	[tilespmem:$0x1A400] =	vst v63  }
0x39: {  	s25 =	sadd.s32 s4, s23;
	s23 =	simm.s32 $0x180;
	_ =	swait.ge [sflag:s12], $0x4000  }
0x3a: {  	s23 =	simm.s32 @!p0 $0x180;
	s21 =	sshll.u32 s25, $0x4;
	[sflag:s12] =	ssyncset.done $0x0  }
0x3b: {  	s21 =	sadd.s32 s3, s21;
	s26 =	rddreg [dreg:$0x7];
	[sflag:s12] =	ssyncadd.s32 $0xFFFFC000  }
0x3c: {  	[hbm4b:s21+s5] =	stream.linear.scatter [tilespmem:s26], [sflag:$0x8], $0x4000, $0x38;
	[tilespmem:$0x1A400] =	vst v63  }
0x3d: {  	s30 =	sadd.s32 s4, s24;
	s28 =	sadd.s32 s4, s23;
	_ =	swait.ge [sflag:s13], $0x4000  }
0x3e: {  	s31 =	sshll.u32 s30, $0x4;
	s21 =	sshll.u32 s28, $0x4;
	[sflag:s13] =	ssyncset.done $0x0  }
0x3f: {  	s21 =	sadd.s32 s3, s21;
	s29 =	rddreg [dreg:$0x8];
	[sflag:s13] =	ssyncadd.s32 $0xFFFFC000  }
0x40: {  	[hbm4b:s21+s5] =	stream.linear.scatter [tilespmem:s29], [sflag:$0x9], $0x4000, $0x38;
	[tilespmem:$0x1A400] =	vst v63  }
0x41: {  	p0 =	por $0x1, $0x1;
	s23 =	simm.s32 $0x680;
	s21 =	simm.s32 $0x400  }
.LBB2_2:
0x42: {  	_ =	swait.ge [sflag:s14], $0x4000  }
0x43: {  	s26 =	simm.s32 @p0 $0x6;
	s24 =	sadd.s32 @p0 $0xFFFFFE80, s21;
	[sflag:s14] =	ssyncset.done $0x0  }
0x44: {  	s25 =	sadd.s32 s3, s31;
	s24 =	simm.s32 @!p0 $0x0;
	[sflag:s14] =	ssyncadd.s32 $0xFFFFC000  }
0x45: {  	[hbm4b:s25+s5] =	stream.linear.scatter [tilespmem:s9], [sflag:$0xA], $0x4000, $0x38;
	[tilespmem:$0x1A400] =	vst v63  }
0x46: {  	s31 =	sadd.s32 @p0 $0xFFFFFE80, s22;
	s30 =	sadd.s32 s4, s24;
	_ =	swait.ge @p0 [sflag:s26], $0x4000  }
0x47: {  	s1 =	simm.s32 @p0 $0x80;
	s25 =	sshll.u32 s30, $0x4;
	[sflag:s26] =	ssyncset.done @p0 $0x0  }
0x48: {  	s30 =	simm.s32 @p0 $0x7;
	[sflag:s26] =	ssyncadd.s32 @p0 $0xFFFFC000;
	s26 =	simm.s32 @p0 $0x6400  }
0x49: {  	[tilespmem:s26], [sflag:$0x1] =	stream.indirect.gather @p0 [hbm4b:s2+s1], $0x80, s31, s1, $0xb8;
	[tilespmem:$0x1A400] =	vst v63  }
0x4a: {  	s28 =	sadd.s32 @p0 $0xFFFFFF00, s21;
	s0 =	simm.s32 @p0 $0xA400;
	_ =	swait.ge @p0 [sflag:s30], $0x4000  }
0x4b: {  	s28 =	simm.s32 @!p0 $0x80;
	s31 =	sadd.s32 @p0 $0xFFFFFF00, s22;
	[sflag:s30] =	ssyncset.done @p0 $0x0  }
0x4c: {  	s26 =	sadd.s32 s4, s28;
	s28 =	simm.s32 @p0 $0x8;
	[sflag:s30] =	ssyncadd.s32 @p0 $0xFFFFC000  }
0x4d: {  	[tilespmem:s0], [sflag:$0x2] =	stream.indirect.gather @p0 [hbm4b:s2+s1], $0x80, s31, s1, $0xb8;
	[tilespmem:$0x1A400] =	vst v63  }
0x4e: {  	_ =	swait.ge @p0 [sflag:s28], $0x4000  }
0x4f: {  	s30 =	simm.s32 @p0 $0xE400;
	[sflag:s28] =	ssyncset.done @p0 $0x0  }
0x50: {  	s0 =	sadd.s32 @p0 $0xFFFFFF80, s22;
	[sflag:s28] =	ssyncadd.s32 @p0 $0xFFFFC000;
	s28 =	simm.s32 @p0 $0x9  }
0x51: {  	[tilespmem:s30], [sflag:$0x3] =	stream.indirect.gather @p0 [hbm4b:s2+s1], $0x80, s0, s1, $0xb8;
	[tilespmem:$0x1A400] =	vst v63  }
0x52: {  	s6 =	sadd.s32 @p0 $0xFFFFFF80, s21;
	_ =	swait.ge @p0 [sflag:s28], $0x4000  }
0x53: {  	s6 =	simm.s32 @!p0 $0x100;
	[sflag:s28] =	ssyncset.done @p0 $0x0  }
0x54: {  	s31 =	simm.s32 @p0 $0xA;
	s0 =	simm.s32 @p0 $0x12400;
	[sflag:s28] =	ssyncadd.s32 @p0 $0xFFFFC000  }
0x55: {  	[tilespmem:s0], [sflag:$0x4] =	stream.indirect.gather @p0 [hbm4b:s2+s1], $0x80, s22, s1, $0xb8;
	[tilespmem:$0x1A400] =	vst v63  }
0x56: {  	s6 =	sadd.s32 s4, s6;
	_ =	swait.ge @p0 [sflag:s31], $0x4000  }
0x57: {  	s30 =	sshll.u32 s6, $0x4;
	s6 =	simm.s32 @!p0 $0x6400;
	[sflag:s31] =	ssyncset.done @p0 $0x0  }
0x58: {  	s0 =	simm.s32 @!p0 $0x80;
	s1 =	simm.s32 @!p0 $0x0;
	[sflag:s31] =	ssyncadd.s32 @p0 $0xFFFFC000  }
0x59: {  	[tilespmem:s6], [sflag:$0x1] =	stream.indirect.gather @!p0 [hbm4b:s2+s0], $0x80, s1, s0, $0xb8;
	[tilespmem:$0x1A400] =	vst v63  }
0x5a: {  	s29 =	smov.u32 s23;
	s21 =	simm.s32 @!p0 $0x180;
	s1 =	simm.s32 @!p0 $0xA400  }
0x5b: {  	[tilespmem:s1], [sflag:$0x2] =	stream.indirect.gather @!p0 [hbm4b:s2+s0], $0x80, s0, s0, $0xb8;
	[tilespmem:$0x1A400] =	vst v63  }
0x5c: {  	s21 =	sadd.s32 s4, s21;
	s6 =	simm.s32 @!p0 $0xE400;
	s1 =	simm.s32 @!p0 $0x100  }
0x5d: {  	[tilespmem:s6], [sflag:$0x3] =	stream.indirect.gather @!p0 [hbm4b:s2+s0], $0x80, s1, s0, $0xb8;
	[tilespmem:$0x1A400] =	vst v63  }
0x5e: {  	s28 =	sshll.u32 s21, $0x4;
	s1 =	simm.s32 @!p0 $0x180;
	s6 =	simm.s32 @!p0 $0x12400  }
0x5f: {  	[tilespmem:s6], [sflag:$0x4] =	stream.indirect.gather @!p0 [hbm4b:s2+s0], $0x80, s1, s0, $0xb8;
	[tilespmem:$0x1A400] =	vst v63  }
0x60: {  	s21 =	smov.u32 s29;
	s29 =	rddreg [dreg:$0x4];
	s6 =	sadd.s32 $0x200, s24  }
0x61: {  	[tilespmem:s9], [sflag:$0x5] =	stream.indirect.gather [hbm4b:s2+s29], $0x80, s6, s29, $0xb8;
	[tilespmem:$0x1A400] =	vst v63  }
0x62: {  	_ =	swait.ge [sflag:s10], $0x4000  }
0x63: {  	[sflag:s10] =	ssyncset.done $0x0  }
0x64: {  	s29 =	sadd.s32 s3, s25;
	s24 =	rddreg [dreg:$0x5];
	[sflag:s10] =	ssyncadd.s32 $0xFFFFC000  }
0x65: {  	[hbm4b:s29+s5] =	stream.linear.scatter [tilespmem:s24], [sflag:$0x6], $0x4000, $0x38;
	[tilespmem:$0x1A400] =	vst v63  }
0x66: {  	_ =	swait.ge [sflag:s11], $0x4000  }
0x67: {  	s26 =	sshll.u32 s26, $0x4;
	s0 =	sadd.s32 s4, s6;
	[sflag:s11] =	ssyncset.done $0x0  }
0x68: {  	s24 =	sadd.s32 s3, s26;
	s6 =	rddreg [dreg:$0x6];
	[sflag:s11] =	ssyncadd.s32 $0xFFFFC000  }
0x69: {  	[hbm4b:s24+s5] =	stream.linear.scatter [tilespmem:s6], [sflag:$0x7], $0x4000, $0x38;
	[tilespmem:$0x1A400] =	vst v63  }
0x6a: {  	s23 =	sadd.s32 $0x280, s23;
	_ =	swait.ge [sflag:s12], $0x4000  }
0x6b: {  	p1 =	sne.s32 s23, $0x6580;
	[sflag:s12] =	ssyncset.done $0x0  }
0x6c: {  	s26 =	sadd.s32 s3, s30;
	s25 =	rddreg [dreg:$0x7];
	[sflag:s12] =	ssyncadd.s32 $0xFFFFC000  }
0x6d: {  	[hbm4b:s26+s5] =	stream.linear.scatter [tilespmem:s25], [sflag:$0x8], $0x4000, $0x38;
	[tilespmem:$0x1A400] =	vst v63  }
.Ltmp0:
0x6e: {  	_ = 	snop;
	(pc) =	sbr.rel @p1 .LBB2_2-.Ltmp0, $4  }
0x6f: {  	s22 =	sadd.s32 $0x280, s22;
	_ =	swait.ge [sflag:s13], $0x4000  }
0x70: {  	p0 =	sne.s32 s21, $0x180;
	s31 =	sshll.u32 s0, $0x4;
	[sflag:s13] =	ssyncset.done $0x0  }
0x71: {  	s30 =	sadd.s32 s3, s28;
	s29 =	rddreg [dreg:$0x8];
	[sflag:s13] =	ssyncadd.s32 $0xFFFFC000  }
0x72: {  	[hbm4b:s30+s5] =	stream.linear.scatter [tilespmem:s29], [sflag:$0x9], $0x4000, $0x38;
	[tilespmem:$0x1A400] =	vst v63  }
0x73: {  	_ =	swait.ge [sflag:s14], $0x4000  }
0x74: {  	[sflag:s14] =	ssyncset.done $0x0  }
0x75: {  	s0 =	simm.s32 @p0 $0x6;
	s1 =	sadd.s32 s3, s31;
	[sflag:s14] =	ssyncadd.s32 $0xFFFFC000  }
0x76: {  	[hbm4b:s1+s5] =	stream.linear.scatter [tilespmem:s9], [sflag:$0xA], $0x4000, $0x38;
	[tilespmem:$0x1A400] =	vst v63  }
0x77: {  	_ =	swait.ge @p0 [sflag:s0], $0x4000  }
0x78: {  	s6 =	simm.s32 @p0 $0x80;
	[sflag:s0] =	ssyncset.done @p0 $0x0  }
0x79: {  	s1 =	sadd.s32 @p0 $0xFFFFFE80, s22;
	[sflag:s0] =	ssyncadd.s32 @p0 $0xFFFFC000;
	s0 =	simm.s32 @p0 $0x6400  }
0x7a: {  	[tilespmem:s0], [sflag:$0x1] =	stream.indirect.gather @p0 [hbm4b:s2+s6], $0x80, s1, s6, $0xb8;
	[tilespmem:$0x1A400] =	vst v63  }
0x7b: {  	s0 =	simm.s32 @p0 $0x7  }
0x7c: {  	_ =	swait.ge @p0 [sflag:s0], $0x4000  }
0x7d: {  	[sflag:s0] =	ssyncset.done @p0 $0x0  }
0x7e: {  	s1 =	sadd.s32 @p0 $0xFFFFFF00, s22;
	[sflag:s0] =	ssyncadd.s32 @p0 $0xFFFFC000;
	s0 =	simm.s32 @p0 $0xA400  }
0x7f: {  	[tilespmem:s0], [sflag:$0x2] =	stream.indirect.gather @p0 [hbm4b:s2+s6], $0x80, s1, s6, $0xb8;
	[tilespmem:$0x1A400] =	vst v63  }
0x80: {  	s0 =	simm.s32 @p0 $0x8  }
0x81: {  	_ =	swait.ge @p0 [sflag:s0], $0x4000  }
0x82: {  	[sflag:s0] =	ssyncset.done @p0 $0x0  }
0x83: {  	s1 =	sadd.s32 @p0 $0xFFFFFF80, s22;
	[sflag:s0] =	ssyncadd.s32 @p0 $0xFFFFC000;
	s0 =	simm.s32 @p0 $0xE400  }
0x84: {  	[tilespmem:s0], [sflag:$0x3] =	stream.indirect.gather @p0 [hbm4b:s2+s6], $0x80, s1, s6, $0xb8;
	[tilespmem:$0x1A400] =	vst v63  }
0x85: {  	s0 =	simm.s32 @p0 $0x9  }
0x86: {  	_ =	swait.ge @p0 [sflag:s0], $0x4000  }
0x87: {  	[sflag:s0] =	ssyncset.done @p0 $0x0  }
0x88: {  	[sflag:s0] =	ssyncadd.s32 @p0 $0xFFFFC000;
	s0 =	simm.s32 @p0 $0x12400  }
0x89: {  	[tilespmem:s0], [sflag:$0x4] =	stream.indirect.gather @p0 [hbm4b:s2+s6], $0x80, s22, s6, $0xb8;
	[tilespmem:$0x1A400] =	vst v63  }
0x8a: {  	s0 =	simm.s32 @p0 $0xA  }
0x8b: {  	_ =	swait.ge @p0 [sflag:s0], $0x4000  }
0x8c: {  	s1 =	simm.s32 @!p0 $0x80;
	[sflag:s0] =	ssyncset.done @p0 $0x0  }
0x8d: {  	s6 =	simm.s32 @!p0 $0x0;
	[sflag:s0] =	ssyncadd.s32 @p0 $0xFFFFC000;
	s0 =	simm.s32 @!p0 $0x6400  }
0x8e: {  	[tilespmem:s0], [sflag:$0x1] =	stream.indirect.gather @!p0 [hbm4b:s2+s1], $0x80, s6, s1, $0xb8;
	[tilespmem:$0x1A400] =	vst v63  }
0x8f: {  	s0 =	simm.s32 @!p0 $0xA400  }
0x90: {  	[tilespmem:s0], [sflag:$0x2] =	stream.indirect.gather @!p0 [hbm4b:s2+s1], $0x80, s1, s1, $0xb8;
	[tilespmem:$0x1A400] =	vst v63  }
0x91: {  	s6 =	simm.s32 @!p0 $0xE400;
	s0 =	simm.s32 @!p0 $0x100  }
0x92: {  	[tilespmem:s6], [sflag:$0x3] =	stream.indirect.gather @!p0 [hbm4b:s2+s1], $0x80, s0, s1, $0xb8;
	[tilespmem:$0x1A400] =	vst v63  }
0x93: {  	s0 =	simm.s32 @!p0 $0x180;
	s6 =	simm.s32 @!p0 $0x12400  }
0x94: {  	[tilespmem:s6], [sflag:$0x4] =	stream.indirect.gather @!p0 [hbm4b:s2+s1], $0x80, s0, s1, $0xb8;
	[tilespmem:$0x1A400] =	vst v63  }
0x95: {  	s0 =	sadd.s32 @p0 $0xFFFFFE80, s21  }
0x96: {  	s0 =	simm.s32 @!p0 $0x0  }
0x97: {  	s23 =	rddreg [dreg:$0x4];
	s24 =	sadd.s32 $0x200, s0  }
0x98: {  	[tilespmem:s9], [sflag:$0x5] =	stream.indirect.gather [hbm4b:s2+s23], $0x80, s24, s23, $0xb8;
	[tilespmem:$0x1A400] =	vst v63  }
0x99: {  	s0 =	sadd.s32 s4, s0;
	_ =	swait.ge [sflag:s10], $0x4000  }
0x9a: {  	s0 =	sshll.u32 s0, $0x4;
	[sflag:s10] =	ssyncset.done $0x0  }
0x9b: {  	s0 =	sadd.s32 s3, s0;
	s25 =	rddreg [dreg:$0x5];
	[sflag:s10] =	ssyncadd.s32 $0xFFFFC000  }
0x9c: {  	[hbm4b:s0+s5] =	stream.linear.scatter [tilespmem:s25], [sflag:$0x6], $0x4000, $0x38;
	[tilespmem:$0x1A400] =	vst v63  }
0x9d: {  	s0 =	sadd.s32 @p0 $0xFFFFFF00, s21  }
0x9e: {  	s0 =	simm.s32 @!p0 $0x80  }
0x9f: {  	_ =	swait.ge [sflag:s11], $0x4000;
	s0 =	sadd.s32 s4, s0  }
0xa0: {  	[sflag:s11] =	ssyncset.done $0x0;
	s0 =	sshll.u32 s0, $0x4  }
0xa1: {  	s26 =	rddreg [dreg:$0x6];
	[sflag:s11] =	ssyncadd.s32 $0xFFFFC000;
	s0 =	sadd.s32 s3, s0  }
0xa2: {  	[hbm4b:s0+s5] =	stream.linear.scatter [tilespmem:s26], [sflag:$0x7], $0x4000, $0x38;
	[tilespmem:$0x1A400] =	vst v63  }
0xa3: {  	s0 =	sadd.s32 @p0 $0xFFFFFF80, s21  }
0xa4: {  	s0 =	simm.s32 @!p0 $0x100  }
0xa5: {  	_ =	swait.ge [sflag:s12], $0x4000;
	s0 =	sadd.s32 s4, s0  }
0xa6: {  	s21 =	simm.s32 @!p0 $0x180;
	[sflag:s12] =	ssyncset.done $0x0;
	s0 =	sshll.u32 s0, $0x4  }
0xa7: {  	s28 =	rddreg [dreg:$0x7];
	[sflag:s12] =	ssyncadd.s32 $0xFFFFC000;
	s0 =	sadd.s32 s3, s0  }
0xa8: {  	[hbm4b:s0+s5] =	stream.linear.scatter [tilespmem:s28], [sflag:$0x8], $0x4000, $0x38;
	[tilespmem:$0x1A400] =	vst v63  }
0xa9: {  	s29 =	sadd.s32 s4, s21;
	_ =	swait.ge [sflag:s13], $0x4000  }
0xaa: {  	s0 =	sshll.u32 s29, $0x4;
	[sflag:s13] =	ssyncset.done $0x0  }
0xab: {  	s0 =	sadd.s32 s3, s0;
	s30 =	rddreg [dreg:$0x8];
	[sflag:s13] =	ssyncadd.s32 $0xFFFFC000  }
0xac: {  	[hbm4b:s0+s5] =	stream.linear.scatter [tilespmem:s30], [sflag:$0x9], $0x4000, $0x38;
	[tilespmem:$0x1A400] =	vst v63  }
0xad: {  	s31 =	sadd.s32 s4, s24;
	_ =	swait.ge [sflag:s14], $0x4000  }
0xae: {  	s0 =	sshll.u32 s31, $0x4;
	[sflag:s14] =	ssyncset.done $0x0  }
0xaf: {  	s0 =	sadd.s32 s3, s0;
	[sflag:s14] =	ssyncadd.s32 $0xFFFFC000  }
0xb0: {  	[hbm4b:s0+s5] =	stream.linear.scatter [tilespmem:s9], [sflag:$0xA], $0x4000, $0x38;
	[tilespmem:$0x1A400] =	vst v63  }
0xb1: {  	_ =	swait.ge [sflag:s15], $0x4000  }
0xb2: {  	[sflag:s15] =	ssyncset.done $0x0  }
0xb3: {  	[sflag:s15] =	ssyncadd.s32 $0xFFFFC000  }
0xb4: {  	_ =	swait.ge [sflag:s16], $0x4000  }
0xb5: {  	[sflag:s16] =	ssyncset.done $0x0  }
0xb6: {  	[sflag:s16] =	ssyncadd.s32 $0xFFFFC000  }
0xb7: {  	_ =	swait.ge [sflag:s17], $0x4000  }
0xb8: {  	[sflag:s17] =	ssyncset.done $0x0  }
0xb9: {  	s20 =	sadd.s32 $0x1, s20;
	[sflag:s17] =	ssyncadd.s32 $0xFFFFC000  }
0xba: {  	p0 =	sne.s32 s20, s7;
	_ =	swait.ge [sflag:s18], $0x4000  }
.Ltmp1:
0xbb: {  	[sflag:s18] =	ssyncset.done $0x0;
	(pc) =	sbr.rel @p0 .LBB2_1-.Ltmp1, $4  }
0xbc: {  	[sflag:s18] =	ssyncadd.s32 $0xFFFFC000  }
0xbd: {  	_ =	swait.ge [sflag:s19], $0x4000  }
0xbe: {  	[sflag:s19] =	ssyncset.done $0x0  }
0xbf: {  	[sflag:s19] =	ssyncadd.s32 $0xFFFFC000  }
0xc0: {  	_ =	sfence.sel $0x180000  }
0xc1: {  	[bflag:$0x0] =	sbarrier.arrive $0xFFFF  }
0xc2: {  	_ =	strace $0x90000047  }
0xc3: {  	s0 =	stileid.u32;
	[bflag:$0x2] =	sbarrier.arrive $0xFFFF  }
0xc4: {  	p0 =	sne.s32 s0, $0x0;
	s0 =	rddreg [dreg:$0x3]  }
0xc5: {  	s0 =	sadd.s32 @!p0 $0x100000, s0  }
0xc6: {  	[sflag:s0] =	ssyncadd.tile.s32 @!p0 $0x1;
	_ =	shalt  }
.Lfunc_end2:
_tile_overlayer_lowered:
.L_overlay_start_2:
0xc7: {  	(tag) =	ssettag $0x2  }
0xc8: {  	s0 =	rddreg [dreg:$0x0];
	s2 =	stileid.u32  }
0xc9: {  	s1 =	rddreg [dreg:$0x1];
	p0 =	sne.s32 s2, $0x0  }
0xca: {  	s3 =	rddreg [dreg:$0x2];
	[bflag:$0x3] =	sbarrier.arrive $0xFFFF;
	s2 =	simm.s32 @!p0 $0x1C0B  }
0xcb: {  	[timem:s3], [sflag:s2] =	dma.local @!p0 [hbm:s0], s1  }
0xcc: {  	s0 =	simm.s32 @!p0 $0xB  }
0xcd: {  	_ =	swait.ge @!p0 [sflag:s0], s1  }
0xce: {  	s1 =	ssub.s32 @!p0 $0x0, s1;
	[sflag:s0] =	ssyncset.done @!p0 $0x0  }
0xcf: {  	[sflag:s0] =	ssyncadd.s32 @!p0 s1  }
0xd0: {  	[bflag:$0x3] =	sbarrier.arrive $0xFFFF  }
0xd1: {  	_ =	shalt  }

</sc_bundles>
